<compile_context>
chip_gen: v7x
topology: tpu7x:2x2x1
jax: 0.10.2.dev20260603
libtpu: 0.0.44.dev20260713+nightly
codegen_flags: <defaults>
</compile_context>

<pallas_src>
import functools

import jax
import jax.numpy as jnp
from jax import lax
from jax.experimental import pallas as pl
from jax.experimental.pallas import tpu as pltpu
from jax.experimental.pallas import tpu_sc as plsc

NC, NS = 2, 16
NW = NC * NS
SEQ = 200
DIM = 64
LANES = 16
SEQS_PER_CHUNK = 4
CHUNK = SEQS_PER_CHUNK * SEQ


def _sc_embed(idx_flat, word_table, pos_table):
    n_rows = idx_flat.shape[0]
    rows_per_w = n_rows // NW
    n_chunks = rows_per_w // CHUNK
    assert n_chunks % 2 == 0
    mesh = plsc.VectorSubcoreMesh(core_axis_name="c", subcore_axis_name="s")

    @functools.partial(
        pl.kernel,
        out_type=jax.ShapeDtypeStruct((n_rows, DIM), jnp.float32),
        mesh=mesh,
        scratch_types=[
            pltpu.VMEM((CHUNK,), jnp.int32),
            pltpu.VMEM((CHUNK,), jnp.int32),
            pltpu.VMEM((CHUNK, DIM), jnp.float32),
            pltpu.VMEM((CHUNK, DIM), jnp.float32),
            pltpu.VMEM((SEQ, DIM), jnp.float32),
            pltpu.SemaphoreType.DMA,
            pltpu.SemaphoreType.DMA,
            pltpu.SemaphoreType.DMA,
            pltpu.SemaphoreType.DMA,
        ],
        compiler_params=pltpu.CompilerParams(use_tc_tiling_on_sc=False),
    )
    def k(idx_hbm, word_hbm, pos_hbm, out_hbm,
          i0, i1, b0, b1, pos_v, g0, g1, s0, s1):
        idx_vs = (i0, i1)
        bufs = (b0, b1)
        gsems = (g0, g1)
        ssems = (s0, s1)
        wid = lax.axis_index("s") * NC + lax.axis_index("c")
        wbase = wid * rows_per_w
        pltpu.sync_copy(pos_hbm, pos_v)

        def gather_start(c, b):
            base = wbase + c * CHUNK
            pltpu.sync_copy(idx_hbm.at[pl.ds(base, CHUNK)], idx_vs[b])
            pltpu.async_copy(word_hbm.at[idx_vs[b]], bufs[b], gsems[b])

        def gather_wait(b):
            pltpu.make_async_copy(
                word_hbm.at[idx_vs[b]], bufs[b], gsems[b]).wait()

        def scatter_start(c, b):
            base = wbase + c * CHUNK
            pltpu.async_copy(bufs[b], out_hbm.at[pl.ds(base, CHUNK)], ssems[b])

        def scatter_wait(c, b):
            base = wbase + c * CHUNK
            pltpu.make_async_copy(
                bufs[b], out_hbm.at[pl.ds(base, CHUNK)], ssems[b]).wait()

        def add_pos(b):
            buf = bufs[b]

            def row_body(prh, rcarry):
                for d in range(2):
                    pr = prh * 2 + d
                    for s in range(SEQS_PER_CHUNK):
                        r = s * SEQ + pr
                        for j in range(DIM // LANES):
                            col = pl.ds(j * LANES, LANES)
                            buf[r, col] = buf[r, col] + pos_v[pr, col]
                return rcarry

            lax.fori_loop(0, SEQ // 2, row_body, 0)

        gather_start(0, 0)

        def pair_body(p, carry):
            for b in range(2):
                c = p * 2 + b
                nb = 1 - b

                @pl.when(c + 1 < n_chunks)
                def _():
                    @pl.when(c >= 1)
                    def _():
                        scatter_wait(c - 1, nb)

                    gather_start(c + 1, nb)

                gather_wait(b)
                add_pos(b)
                scatter_start(c, b)
            return carry

        lax.fori_loop(0, n_chunks // 2, pair_body, 0)
        scatter_wait(n_chunks - 2, 0)
        scatter_wait(n_chunks - 1, 1)

    return k(idx_flat, word_table, pos_table)


def kernel(inputs, word_table, pos_table):
    batch, seq = inputs.shape
    idx_flat = inputs.reshape(batch * seq).astype(jnp.int32)
    out = _sc_embed(idx_flat, word_table, pos_table)
    return out.reshape(batch, seq, DIM)

# --- scband reference (transcript-rebuilt; emitter-appended) ---
"""Pipeline reference for scband-position-embedding-fixed-weights-22084721836545 (READ-ONLY COPY).

The authoritative reference and input builder live on the scoring server;
editing this copy changes nothing except your own understanding.
"""

import jax, jax.numpy as jnp
import numpy as np

SEQ_LEN = 200
VOCAB = 100000
DIM = 64
BATCH = 4096

def get_position_encoding(length, d, n=10000):
    pos = np.arange(length, dtype=np.float64)[:, None]
    i = np.arange(d // 2, dtype=np.float64)[None, :]
    denom = np.power(float(n), 2.0 * i / d)
    enc = np.zeros((length, d), dtype=np.float64)
    enc[:, 0::2] = np.sin(pos / denom)
    enc[:, 1::2] = np.cos(pos / denom)
    return enc.astype(np.float32)

def setup_inputs(seed: int = 0) -> dict:
    key = jax.random.key(seed)
    inputs = jax.random.randint(key, (BATCH, SEQ_LEN), 0, VOCAB)
    word_table = jnp.asarray(get_position_encoding(VOCAB, DIM))
    pos_table = jnp.asarray(get_position_encoding(SEQ_LEN, DIM))
    return {"inputs": inputs, "word_table": word_table, "pos_table": pos_table}

def reference(inputs, word_table, pos_table):
    pos_indices = jnp.arange(inputs.shape[-1])
    embedded_words = jnp.take(word_table, inputs, axis=0)
    embedded_indices = jnp.take(pos_table, pos_indices, axis=0)
    return embedded_words + embedded_indices

if __name__ == "__main__":
    import jax
    _d = setup_inputs()
    print(jax.jit(kernel)(*tuple(_d.values())))

</pallas_src>

<mosaic_0001>
#map = affine_map<(d0, d1) -> (0)>
#map1 = affine_map<(d0, d1) -> (0, 0)>
module attributes {stable_mosaic.version = 14 : i64} {
  func.func @k(%arg0: i32, %arg1: i32, %arg2: memref<819200xi32, #tpu.memory_space<hbm>>, %arg3: memref<100000x64xf32, #tpu.memory_space<hbm>>, %arg4: memref<200x64xf32, #tpu.memory_space<hbm>>, %arg5: memref<819200x64xf32, #tpu.memory_space<hbm>>, %arg6: memref<800xi32, #tpu.memory_space<vmem>>, %arg7: memref<800xi32, #tpu.memory_space<vmem>>, %arg8: memref<800x64xf32, #tpu.memory_space<vmem>>, %arg9: memref<800x64xf32, #tpu.memory_space<vmem>>, %arg10: memref<200x64xf32, #tpu.memory_space<vmem>>, %arg11: memref<!tpu.dma_semaphore, #tpu.memory_space<semaphore_mem>>, %arg12: memref<!tpu.dma_semaphore, #tpu.memory_space<semaphore_mem>>, %arg13: memref<!tpu.dma_semaphore, #tpu.memory_space<semaphore_mem>>, %arg14: memref<!tpu.dma_semaphore, #tpu.memory_space<semaphore_mem>>) attributes {dimension_semantics = [#tpu.dimension_semantics<core_parallel>, #tpu.dimension_semantics<subcore_parallel>], iteration_bounds = array<i64: 2, 16>, scalar_prefetch = 0 : i64, scratch_operands = 9 : i64, tpu.core_type = #tpu.core_type<sc_vector_subcore>, window_params = [{transform_indices = #map}, {transform_indices = #map1}, {transform_indices = #map1}, {transform_indices = #map1}]} {
    %mul3A = arith.constant 2 : i32
    %mul3A_0 = arith.muli %arg1, %mul3A : i32
    %add3A = arith.addi %mul3A_0, %arg0 : i32
    %mul3A_1 = arith.constant 25600 : i32
    %mul3A_2 = arith.muli %add3A, %mul3A_1 : i32
    "tpu.region"() ({
      %run_scoped3A = tpu.sem_alloc : memref<!tpu.dma_semaphore, #tpu.memory_space<semaphore_mem>>
      tpu.enqueue_dma source(%arg4 : memref<200x64xf32, #tpu.memory_space<hbm>>) target(%arg10 : memref<200x64xf32, #tpu.memory_space<vmem>>) target_semaphore(%run_scoped3A : memref<!tpu.dma_semaphore, #tpu.memory_space<semaphore_mem>>)
      tpu.wait_dma2 semaphore(%run_scoped3A : memref<!tpu.dma_semaphore, #tpu.memory_space<semaphore_mem>>) src(%arg4 : memref<200x64xf32, #tpu.memory_space<hbm>>) dst(%arg10 : memref<200x64xf32, #tpu.memory_space<vmem>>)
      tpu.yield
    }) : () -> ()
    %add3A_3 = arith.constant 0 : i32
    %add3A_4 = arith.addi %mul3A_2, %add3A_3 : i32
    "tpu.region"() ({
      %run_scoped3A = tpu.sem_alloc : memref<!tpu.dma_semaphore, #tpu.memory_space<semaphore_mem>>
      %dma_start3A_23 = tpu.memref_slice %arg2[%add3A_4] : memref<819200xi32, #tpu.memory_space<hbm>> -> memref<800xi32, #tpu.memory_space<hbm>>
      %dma_start3A_24 = tpu.memref_slice %arg2[%add3A_4] : memref<819200xi32, #tpu.memory_space<hbm>> -> memref<800xi32, #tpu.memory_space<hbm>>
      tpu.enqueue_dma source(%dma_start3A_24 : memref<800xi32, #tpu.memory_space<hbm>>) target(%arg6 : memref<800xi32, #tpu.memory_space<vmem>>) target_semaphore(%run_scoped3A : memref<!tpu.dma_semaphore, #tpu.memory_space<semaphore_mem>>)
      %dma_wait3A_25 = tpu.memref_slice %arg2[%add3A_4] : memref<819200xi32, #tpu.memory_space<hbm>> -> memref<800xi32, #tpu.memory_space<hbm>>
      %dma_wait3A_26 = tpu.memref_slice %arg2[%add3A_4] : memref<819200xi32, #tpu.memory_space<hbm>> -> memref<800xi32, #tpu.memory_space<hbm>>
      tpu.wait_dma2 semaphore(%run_scoped3A : memref<!tpu.dma_semaphore, #tpu.memory_space<semaphore_mem>>) src(%dma_wait3A_26 : memref<800xi32, #tpu.memory_space<hbm>>) dst(%arg6 : memref<800xi32, #tpu.memory_space<vmem>>)
      tpu.yield
    }) : () -> ()
    %dma_start3A = arith.constant 0 : i32
    %dma_start3A_5 = arith.constant 0 : i32
    %dma_start3A_6 = tpu.memref_slice %arg3[%dma_start3A, %dma_start3A_5] : memref<100000x64xf32, #tpu.memory_space<hbm>> -> memref<100000x64xf32, #tpu.memory_space<hbm>>
    tpu.enqueue_indirect_dma source(%dma_start3A_6 : memref<100000x64xf32, #tpu.memory_space<hbm>>) target(%arg8 : memref<800x64xf32, #tpu.memory_space<vmem>>) offsets(%arg6 : memref<800xi32, #tpu.memory_space<vmem>>) semaphore(%arg11 : memref<!tpu.dma_semaphore, #tpu.memory_space<semaphore_mem>>)
    %scan3A = arith.constant 0 : i32
    %scan3A_7 = arith.constant 0 : i32
    %scan3A_8 = arith.constant 16 : i32
    %scan3A_9 = arith.addi %scan3A_7, %scan3A_8 : i32
    %scan3A_10 = arith.constant 1 : i32
    scf.for %scan3A_23 = %scan3A_7 to %scan3A_9 step %scan3A_10  : i32 {
      %mul3A_24 = arith.constant 2 : i32
      %mul3A_25 = arith.muli %scan3A_23, %mul3A_24 : i32
      %add3A_26 = arith.constant 0 : i32
      %add3A_27 = arith.addi %mul3A_25, %add3A_26 : i32
      %add3A_28 = arith.constant 1 : i32
      %add3A_29 = arith.addi %add3A_27, %add3A_28 : i32
      %lt3A = arith.constant 32 : i32
      %lt3A_30 = arith.cmpi slt, %add3A_29, %lt3A : i32
      %convert_element_type3A = arith.extui %lt3A_30 : i1 to i32
      %cond3A = arith.constant 0 : i32
      %cond3A_31 = arith.cmpi ne, %convert_element_type3A, %cond3A : i32
      scf.if %cond3A_31 {
        %ge3A = arith.constant 1 : i32
        %ge3A_75 = arith.cmpi sge, %add3A_27, %ge3A : i32
        %convert_element_type3A_76 = arith.extui %ge3A_75 : i1 to i32
        %cond3A_77 = arith.constant 0 : i32
        %cond3A_78 = arith.cmpi ne, %convert_element_type3A_76, %cond3A_77 : i32
        scf.if %cond3A_78 {
          %sub3A = arith.constant 1 : i32
          %sub3A_87 = arith.subi %add3A_27, %sub3A : i32
          %mul3A_88 = arith.constant 800 : i32
          %mul3A_89 = arith.muli %sub3A_87, %mul3A_88 : i32
          %add3A_90 = arith.addi %mul3A_2, %mul3A_89 : i32
          %dma_wait3A_91 = arith.constant 0 : i32
          %dma_wait3A_92 = tpu.memref_slice %arg5[%add3A_90, %dma_wait3A_91] : memref<819200x64xf32, #tpu.memory_space<hbm>> -> memref<800x64xf32, #tpu.memory_space<hbm>>
          %dma_wait3A_93 = arith.constant 0 : i32
          %dma_wait3A_94 = tpu.memref_slice %arg5[%add3A_90, %dma_wait3A_93] : memref<819200x64xf32, #tpu.memory_space<hbm>> -> memref<800x64xf32, #tpu.memory_space<hbm>>
          tpu.wait_dma2 semaphore(%arg14 : memref<!tpu.dma_semaphore, #tpu.memory_space<semaphore_mem>>) src(%arg9 : memref<800x64xf32, #tpu.memory_space<vmem>>) dst(%dma_wait3A_94 : memref<800x64xf32, #tpu.memory_space<hbm>>)
        } else {
        }
        %add3A_79 = arith.constant 1 : i32
        %add3A_80 = arith.addi %add3A_27, %add3A_79 : i32
        %mul3A_81 = arith.constant 800 : i32
        %mul3A_82 = arith.muli %add3A_80, %mul3A_81 : i32
        %add3A_83 = arith.addi %mul3A_2, %mul3A_82 : i32
        "tpu.region"() ({
          %run_scoped3A = tpu.sem_alloc : memref<!tpu.dma_semaphore, #tpu.memory_space<semaphore_mem>>
          %dma_start3A_87 = tpu.memref_slice %arg2[%add3A_83] : memref<819200xi32, #tpu.memory_space<hbm>> -> memref<800xi32, #tpu.memory_space<hbm>>
          %dma_start3A_88 = tpu.memref_slice %arg2[%add3A_83] : memref<819200xi32, #tpu.memory_space<hbm>> -> memref<800xi32, #tpu.memory_space<hbm>>
          tpu.enqueue_dma source(%dma_start3A_88 : memref<800xi32, #tpu.memory_space<hbm>>) target(%arg7 : memref<800xi32, #tpu.memory_space<vmem>>) target_semaphore(%run_scoped3A : memref<!tpu.dma_semaphore, #tpu.memory_space<semaphore_mem>>)
          %dma_wait3A_89 = tpu.memref_slice %arg2[%add3A_83] : memref<819200xi32, #tpu.memory_space<hbm>> -> memref<800xi32, #tpu.memory_space<hbm>>
          %dma_wait3A_90 = tpu.memref_slice %arg2[%add3A_83] : memref<819200xi32, #tpu.memory_space<hbm>> -> memref<800xi32, #tpu.memory_space<hbm>>
          tpu.wait_dma2 semaphore(%run_scoped3A : memref<!tpu.dma_semaphore, #tpu.memory_space<semaphore_mem>>) src(%dma_wait3A_90 : memref<800xi32, #tpu.memory_space<hbm>>) dst(%arg7 : memref<800xi32, #tpu.memory_space<vmem>>)
          tpu.yield
        }) : () -> ()
        %dma_start3A_84 = arith.constant 0 : i32
        %dma_start3A_85 = arith.constant 0 : i32
        %dma_start3A_86 = tpu.memref_slice %arg3[%dma_start3A_84, %dma_start3A_85] : memref<100000x64xf32, #tpu.memory_space<hbm>> -> memref<100000x64xf32, #tpu.memory_space<hbm>>
        tpu.enqueue_indirect_dma source(%dma_start3A_86 : memref<100000x64xf32, #tpu.memory_space<hbm>>) target(%arg9 : memref<800x64xf32, #tpu.memory_space<vmem>>) offsets(%arg7 : memref<800xi32, #tpu.memory_space<vmem>>) semaphore(%arg12 : memref<!tpu.dma_semaphore, #tpu.memory_space<semaphore_mem>>)
      } else {
      }
      %dma_wait3A_32 = arith.constant 0 : i32
      %dma_wait3A_33 = arith.constant 0 : i32
      %dma_wait3A_34 = tpu.memref_slice %arg3[%dma_wait3A_32, %dma_wait3A_33] : memref<100000x64xf32, #tpu.memory_space<hbm>> -> memref<100000x64xf32, #tpu.memory_space<hbm>>
      tpu.wait_indirect_dma semaphore(%arg11 : memref<!tpu.dma_semaphore, #tpu.memory_space<semaphore_mem>>) src(%dma_wait3A_34 : memref<100000x64xf32, #tpu.memory_space<hbm>>) dst(%arg8 : memref<800x64xf32, #tpu.memory_space<vmem>>)
      %scan3A_35 = arith.constant 0 : i32
      %scan3A_36 = arith.constant 0 : i32
      %scan3A_37 = arith.constant 100 : i32
      %scan3A_38 = arith.addi %scan3A_36, %scan3A_37 : i32
      %scan3A_39 = arith.constant 1 : i32
      scf.for %scan3A_75 = %scan3A_36 to %scan3A_38 step %scan3A_39  : i32 {
        %mul3A_76 = arith.constant 2 : i32
        %mul3A_77 = arith.muli %scan3A_75, %mul3A_76 : i32
        %add3A_78 = arith.constant 0 : i32
        %add3A_79 = arith.addi %mul3A_77, %add3A_78 : i32
        %add3A_80 = arith.constant 0 : i32
        %add3A_81 = arith.addi %add3A_80, %add3A_79 : i32
        %get3A = arith.index_cast %add3A_81 : i32 to index
        %get3A_82 = arith.constant 0 : index
        %get3A_83 = tpu.vector_load %arg8[%get3A, %get3A_82] {strides = array<i32>} : memref<800x64xf32, #tpu.memory_space<vmem>>, vector<1x16xf32>,
        %get3A_84 = vector.shape_cast %get3A_83 : vector<1x16xf32> to vector<16xf32>
        %get3A_85 = arith.index_cast %add3A_79 : i32 to index
        %get3A_86 = arith.constant 0 : index
        %get3A_87 = tpu.vector_load %arg10[%get3A_85, %get3A_86] {strides = array<i32>} : memref<200x64xf32, #tpu.memory_space<vmem>>, vector<1x16xf32>,
        %get3A_88 = vector.shape_cast %get3A_87 : vector<1x16xf32> to vector<16xf32>
        %add3A_89 = arith.addf %get3A_84, %get3A_88 : vector<16xf32>
        %swap3A = arith.index_cast %add3A_81 : i32 to index
        %swap3A_90 = arith.constant 0 : index
        %swap3A_91 = tpu.vector_load %arg8[%swap3A, %swap3A_90] {strides = array<i32>} : memref<800x64xf32, #tpu.memory_space<vmem>>, vector<1x16xf32>,
        %swap3A_92 = vector.shape_cast %swap3A_91 : vector<1x16xf32> to vector<16xf32>
        %swap3A_93 = vector.shape_cast %add3A_89 : vector<16xf32> to vector<1x16xf32>
        tpu.vector_store %arg8[%swap3A, %swap3A_90], %swap3A_93 {strides = array<i32>} : memref<800x64xf32, #tpu.memory_space<vmem>>, vector<1x16xf32>,
        %get3A_94 = arith.index_cast %add3A_81 : i32 to index
        %get3A_95 = arith.constant 16 : index
        %get3A_96 = tpu.vector_load %arg8[%get3A_94, %get3A_95] {strides = array<i32>} : memref<800x64xf32, #tpu.memory_space<vmem>>, vector<1x16xf32>,
        %get3A_97 = vector.shape_cast %get3A_96 : vector<1x16xf32> to vector<16xf32>
        %get3A_98 = arith.index_cast %add3A_79 : i32 to index
        %get3A_99 = arith.constant 16 : index
        %get3A_100 = tpu.vector_load %arg10[%get3A_98, %get3A_99] {strides = array<i32>} : memref<200x64xf32, #tpu.memory_space<vmem>>, vector<1x16xf32>,
        %get3A_101 = vector.shape_cast %get3A_100 : vector<1x16xf32> to vector<16xf32>
        %add3A_102 = arith.addf %get3A_97, %get3A_101 : vector<16xf32>
        %swap3A_103 = arith.index_cast %add3A_81 : i32 to index
        %swap3A_104 = arith.constant 16 : index
        %swap3A_105 = tpu.vector_load %arg8[%swap3A_103, %swap3A_104] {strides = array<i32>} : memref<800x64xf32, #tpu.memory_space<vmem>>, vector<1x16xf32>,
        %swap3A_106 = vector.shape_cast %swap3A_105 : vector<1x16xf32> to vector<16xf32>
        %swap3A_107 = vector.shape_cast %add3A_102 : vector<16xf32> to vector<1x16xf32>
        tpu.vector_store %arg8[%swap3A_103, %swap3A_104], %swap3A_107 {strides = array<i32>} : memref<800x64xf32, #tpu.memory_space<vmem>>, vector<1x16xf32>,
        %get3A_108 = arith.index_cast %add3A_81 : i32 to index
        %get3A_109 = arith.constant 32 : index
        %get3A_110 = tpu.vector_load %arg8[%get3A_108, %get3A_109] {strides = array<i32>} : memref<800x64xf32, #tpu.memory_space<vmem>>, vector<1x16xf32>,
        %get3A_111 = vector.shape_cast %get3A_110 : vector<1x16xf32> to vector<16xf32>
        %get3A_112 = arith.index_cast %add3A_79 : i32 to index
        %get3A_113 = arith.constant 32 : index
        %get3A_114 = tpu.vector_load %arg10[%get3A_112, %get3A_113] {strides = array<i32>} : memref<200x64xf32, #tpu.memory_space<vmem>>, vector<1x16xf32>,
        %get3A_115 = vector.shape_cast %get3A_114 : vector<1x16xf32> to vector<16xf32>
        %add3A_116 = arith.addf %get3A_111, %get3A_115 : vector<16xf32>
        %swap3A_117 = arith.index_cast %add3A_81 : i32 to index
        %swap3A_118 = arith.constant 32 : index
        %swap3A_119 = tpu.vector_load %arg8[%swap3A_117, %swap3A_118] {strides = array<i32>} : memref<800x64xf32, #tpu.memory_space<vmem>>, vector<1x16xf32>,
        %swap3A_120 = vector.shape_cast %swap3A_119 : vector<1x16xf32> to vector<16xf32>
        %swap3A_121 = vector.shape_cast %add3A_116 : vector<16xf32> to vector<1x16xf32>
        tpu.vector_store %arg8[%swap3A_117, %swap3A_118], %swap3A_121 {strides = array<i32>} : memref<800x64xf32, #tpu.memory_space<vmem>>, vector<1x16xf32>,
        %get3A_122 = arith.index_cast %add3A_81 : i32 to index
        %get3A_123 = arith.constant 48 : index
        %get3A_124 = tpu.vector_load %arg8[%get3A_122, %get3A_123] {strides = array<i32>} : memref<800x64xf32, #tpu.memory_space<vmem>>, vector<1x16xf32>,
        %get3A_125 = vector.shape_cast %get3A_124 : vector<1x16xf32> to vector<16xf32>
        %get3A_126 = arith.index_cast %add3A_79 : i32 to index
        %get3A_127 = arith.constant 48 : index
        %get3A_128 = tpu.vector_load %arg10[%get3A_126, %get3A_127] {strides = array<i32>} : memref<200x64xf32, #tpu.memory_space<vmem>>, vector<1x16xf32>,
        %get3A_129 = vector.shape_cast %get3A_128 : vector<1x16xf32> to vector<16xf32>
        %add3A_130 = arith.addf %get3A_125, %get3A_129 : vector<16xf32>
        %swap3A_131 = arith.index_cast %add3A_81 : i32 to index
        %swap3A_132 = arith.constant 48 : index
        %swap3A_133 = tpu.vector_load %arg8[%swap3A_131, %swap3A_132] {strides = array<i32>} : memref<800x64xf32, #tpu.memory_space<vmem>>, vector<1x16xf32>,
        %swap3A_134 = vector.shape_cast %swap3A_133 : vector<1x16xf32> to vector<16xf32>
        %swap3A_135 = vector.shape_cast %add3A_130 : vector<16xf32> to vector<1x16xf32>
        tpu.vector_store %arg8[%swap3A_131, %swap3A_132], %swap3A_135 {strides = array<i32>} : memref<800x64xf32, #tpu.memory_space<vmem>>, vector<1x16xf32>,
        %add3A_136 = arith.constant 200 : i32
        %add3A_137 = arith.addi %add3A_136, %add3A_79 : i32
        %get3A_138 = arith.index_cast %add3A_137 : i32 to index
        %get3A_139 = arith.constant 0 : index
        %get3A_140 = tpu.vector_load %arg8[%get3A_138, %get3A_139] {strides = array<i32>} : memref<800x64xf32, #tpu.memory_space<vmem>>, vector<1x16xf32>,
        %get3A_141 = vector.shape_cast %get3A_140 : vector<1x16xf32> to vector<16xf32>
        %get3A_142 = arith.index_cast %add3A_79 : i32 to index
        %get3A_143 = arith.constant 0 : index
        %get3A_144 = tpu.vector_load %arg10[%get3A_142, %get3A_143] {strides = array<i32>} : memref<200x64xf32, #tpu.memory_space<vmem>>, vector<1x16xf32>,
        %get3A_145 = vector.shape_cast %get3A_144 : vector<1x16xf32> to vector<16xf32>
        %add3A_146 = arith.addf %get3A_141, %get3A_145 : vector<16xf32>
        %swap3A_147 = arith.index_cast %add3A_137 : i32 to index
        %swap3A_148 = arith.constant 0 : index
        %swap3A_149 = tpu.vector_load %arg8[%swap3A_147, %swap3A_148] {strides = array<i32>} : memref<800x64xf32, #tpu.memory_space<vmem>>, vector<1x16xf32>,
        %swap3A_150 = vector.shape_cast %swap3A_149 : vector<1x16xf32> to vector<16xf32>
        %swap3A_151 = vector.shape_cast %add3A_146 : vector<16xf32> to vector<1x16xf32>
        tpu.vector_store %arg8[%swap3A_147, %swap3A_148], %swap3A_151 {strides = array<i32>} : memref<800x64xf32, #tpu.memory_space<vmem>>, vector<1x16xf32>,
        %get3A_152 = arith.index_cast %add3A_137 : i32 to index
        %get3A_153 = arith.constant 16 : index
        %get3A_154 = tpu.vector_load %arg8[%get3A_152, %get3A_153] {strides = array<i32>} : memref<800x64xf32, #tpu.memory_space<vmem>>, vector<1x16xf32>,
        %get3A_155 = vector.shape_cast %get3A_154 : vector<1x16xf32> to vector<16xf32>
        %get3A_156 = arith.index_cast %add3A_79 : i32 to index
        %get3A_157 = arith.constant 16 : index
        %get3A_158 = tpu.vector_load %arg10[%get3A_156, %get3A_157] {strides = array<i32>} : memref<200x64xf32, #tpu.memory_space<vmem>>, vector<1x16xf32>,
        %get3A_159 = vector.shape_cast %get3A_158 : vector<1x16xf32> to vector<16xf32>
        %add3A_160 = arith.addf %get3A_155, %get3A_159 : vector<16xf32>
        %swap3A_161 = arith.index_cast %add3A_137 : i32 to index
        %swap3A_162 = arith.constant 16 : index
        %swap3A_163 = tpu.vector_load %arg8[%swap3A_161, %swap3A_162] {strides = array<i32>} : memref<800x64xf32, #tpu.memory_space<vmem>>, vector<1x16xf32>,
        %swap3A_164 = vector.shape_cast %swap3A_163 : vector<1x16xf32> to vector<16xf32>
        %swap3A_165 = vector.shape_cast %add3A_160 : vector<16xf32> to vector<1x16xf32>
        tpu.vector_store %arg8[%swap3A_161, %swap3A_162], %swap3A_165 {strides = array<i32>} : memref<800x64xf32, #tpu.memory_space<vmem>>, vector<1x16xf32>,
        %get3A_166 = arith.index_cast %add3A_137 : i32 to index
        %get3A_167 = arith.constant 32 : index
        %get3A_168 = tpu.vector_load %arg8[%get3A_166, %get3A_167] {strides = array<i32>} : memref<800x64xf32, #tpu.memory_space<vmem>>, vector<1x16xf32>,
        %get3A_169 = vector.shape_cast %get3A_168 : vector<1x16xf32> to vector<16xf32>
        %get3A_170 = arith.index_cast %add3A_79 : i32 to index
        %get3A_171 = arith.constant 32 : index
        %get3A_172 = tpu.vector_load %arg10[%get3A_170, %get3A_171] {strides = array<i32>} : memref<200x64xf32, #tpu.memory_space<vmem>>, vector<1x16xf32>,
        %get3A_173 = vector.shape_cast %get3A_172 : vector<1x16xf32> to vector<16xf32>
        %add3A_174 = arith.addf %get3A_169, %get3A_173 : vector<16xf32>
        %swap3A_175 = arith.index_cast %add3A_137 : i32 to index
        %swap3A_176 = arith.constant 32 : index
        %swap3A_177 = tpu.vector_load %arg8[%swap3A_175, %swap3A_176] {strides = array<i32>} : memref<800x64xf32, #tpu.memory_space<vmem>>, vector<1x16xf32>,
        %swap3A_178 = vector.shape_cast %swap3A_177 : vector<1x16xf32> to vector<16xf32>
        %swap3A_179 = vector.shape_cast %add3A_174 : vector<16xf32> to vector<1x16xf32>
        tpu.vector_store %arg8[%swap3A_175, %swap3A_176], %swap3A_179 {strides = array<i32>} : memref<800x64xf32, #tpu.memory_space<vmem>>, vector<1x16xf32>,
        %get3A_180 = arith.index_cast %add3A_137 : i32 to index
        %get3A_181 = arith.constant 48 : index
        %get3A_182 = tpu.vector_load %arg8[%get3A_180, %get3A_181] {strides = array<i32>} : memref<800x64xf32, #tpu.memory_space<vmem>>, vector<1x16xf32>,
        %get3A_183 = vector.shape_cast %get3A_182 : vector<1x16xf32> to vector<16xf32>
        %get3A_184 = arith.index_cast %add3A_79 : i32 to index
        %get3A_185 = arith.constant 48 : index
        %get3A_186 = tpu.vector_load %arg10[%get3A_184, %get3A_185] {strides = array<i32>} : memref<200x64xf32, #tpu.memory_space<vmem>>, vector<1x16xf32>,
        %get3A_187 = vector.shape_cast %get3A_186 : vector<1x16xf32> to vector<16xf32>
        %add3A_188 = arith.addf %get3A_183, %get3A_187 : vector<16xf32>
        %swap3A_189 = arith.index_cast %add3A_137 : i32 to index
        %swap3A_190 = arith.constant 48 : index
        %swap3A_191 = tpu.vector_load %arg8[%swap3A_189, %swap3A_190] {strides = array<i32>} : memref<800x64xf32, #tpu.memory_space<vmem>>, vector<1x16xf32>,
        %swap3A_192 = vector.shape_cast %swap3A_191 : vector<1x16xf32> to vector<16xf32>
        %swap3A_193 = vector.shape_cast %add3A_188 : vector<16xf32> to vector<1x16xf32>
        tpu.vector_store %arg8[%swap3A_189, %swap3A_190], %swap3A_193 {strides = array<i32>} : memref<800x64xf32, #tpu.memory_space<vmem>>, vector<1x16xf32>,
        %add3A_194 = arith.constant 400 : i32
        %add3A_195 = arith.addi %add3A_194, %add3A_79 : i32
        %get3A_196 = arith.index_cast %add3A_195 : i32 to index
        %get3A_197 = arith.constant 0 : index
        %get3A_198 = tpu.vector_load %arg8[%get3A_196, %get3A_197] {strides = array<i32>} : memref<800x64xf32, #tpu.memory_space<vmem>>, vector<1x16xf32>,
        %get3A_199 = vector.shape_cast %get3A_198 : vector<1x16xf32> to vector<16xf32>
        %get3A_200 = arith.index_cast %add3A_79 : i32 to index
        %get3A_201 = arith.constant 0 : index
        %get3A_202 = tpu.vector_load %arg10[%get3A_200, %get3A_201] {strides = array<i32>} : memref<200x64xf32, #tpu.memory_space<vmem>>, vector<1x16xf32>,
        %get3A_203 = vector.shape_cast %get3A_202 : vector<1x16xf32> to vector<16xf32>
        %add3A_204 = arith.addf %get3A_199, %get3A_203 : vector<16xf32>
        %swap3A_205 = arith.index_cast %add3A_195 : i32 to index
        %swap3A_206 = arith.constant 0 : index
        %swap3A_207 = tpu.vector_load %arg8[%swap3A_205, %swap3A_206] {strides = array<i32>} : memref<800x64xf32, #tpu.memory_space<vmem>>, vector<1x16xf32>,
        %swap3A_208 = vector.shape_cast %swap3A_207 : vector<1x16xf32> to vector<16xf32>
        %swap3A_209 = vector.shape_cast %add3A_204 : vector<16xf32> to vector<1x16xf32>
        tpu.vector_store %arg8[%swap3A_205, %swap3A_206], %swap3A_209 {strides = array<i32>} : memref<800x64xf32, #tpu.memory_space<vmem>>, vector<1x16xf32>,
        %get3A_210 = arith.index_cast %add3A_195 : i32 to index
        %get3A_211 = arith.constant 16 : index
        %get3A_212 = tpu.vector_load %arg8[%get3A_210, %get3A_211] {strides = array<i32>} : memref<800x64xf32, #tpu.memory_space<vmem>>, vector<1x16xf32>,
        %get3A_213 = vector.shape_cast %get3A_212 : vector<1x16xf32> to vector<16xf32>
        %get3A_214 = arith.index_cast %add3A_79 : i32 to index
        %get3A_215 = arith.constant 16 : index
        %get3A_216 = tpu.vector_load %arg10[%get3A_214, %get3A_215] {strides = array<i32>} : memref<200x64xf32, #tpu.memory_space<vmem>>, vector<1x16xf32>,
        %get3A_217 = vector.shape_cast %get3A_216 : vector<1x16xf32> to vector<16xf32>
        %add3A_218 = arith.addf %get3A_213, %get3A_217 : vector<16xf32>
        %swap3A_219 = arith.index_cast %add3A_195 : i32 to index
        %swap3A_220 = arith.constant 16 : index
        %swap3A_221 = tpu.vector_load %arg8[%swap3A_219, %swap3A_220] {strides = array<i32>} : memref<800x64xf32, #tpu.memory_space<vmem>>, vector<1x16xf32>,
        %swap3A_222 = vector.shape_cast %swap3A_221 : vector<1x16xf32> to vector<16xf32>
        %swap3A_223 = vector.shape_cast %add3A_218 : vector<16xf32> to vector<1x16xf32>
        tpu.vector_store %arg8[%swap3A_219, %swap3A_220], %swap3A_223 {strides = array<i32>} : memref<800x64xf32, #tpu.memory_space<vmem>>, vector<1x16xf32>,
        %get3A_224 = arith.index_cast %add3A_195 : i32 to index
        %get3A_225 = arith.constant 32 : index
        %get3A_226 = tpu.vector_load %arg8[%get3A_224, %get3A_225] {strides = array<i32>} : memref<800x64xf32, #tpu.memory_space<vmem>>, vector<1x16xf32>,
        %get3A_227 = vector.shape_cast %get3A_226 : vector<1x16xf32> to vector<16xf32>
        %get3A_228 = arith.index_cast %add3A_79 : i32 to index
        %get3A_229 = arith.constant 32 : index
        %get3A_230 = tpu.vector_load %arg10[%get3A_228, %get3A_229] {strides = array<i32>} : memref<200x64xf32, #tpu.memory_space<vmem>>, vector<1x16xf32>,
        %get3A_231 = vector.shape_cast %get3A_230 : vector<1x16xf32> to vector<16xf32>
        %add3A_232 = arith.addf %get3A_227, %get3A_231 : vector<16xf32>
        %swap3A_233 = arith.index_cast %add3A_195 : i32 to index
        %swap3A_234 = arith.constant 32 : index
        %swap3A_235 = tpu.vector_load %arg8[%swap3A_233, %swap3A_234] {strides = array<i32>} : memref<800x64xf32, #tpu.memory_space<vmem>>, vector<1x16xf32>,
        %swap3A_236 = vector.shape_cast %swap3A_235 : vector<1x16xf32> to vector<16xf32>
        %swap3A_237 = vector.shape_cast %add3A_232 : vector<16xf32> to vector<1x16xf32>
        tpu.vector_store %arg8[%swap3A_233, %swap3A_234], %swap3A_237 {strides = array<i32>} : memref<800x64xf32, #tpu.memory_space<vmem>>, vector<1x16xf32>,
        %get3A_238 = arith.index_cast %add3A_195 : i32 to index
        %get3A_239 = arith.constant 48 : index
        %get3A_240 = tpu.vector_load %arg8[%get3A_238, %get3A_239] {strides = array<i32>} : memref<800x64xf32, #tpu.memory_space<vmem>>, vector<1x16xf32>,
        %get3A_241 = vector.shape_cast %get3A_240 : vector<1x16xf32> to vector<16xf32>
        %get3A_242 = arith.index_cast %add3A_79 : i32 to index
        %get3A_243 = arith.constant 48 : index
        %get3A_244 = tpu.vector_load %arg10[%get3A_242, %get3A_243] {strides = array<i32>} : memref<200x64xf32, #tpu.memory_space<vmem>>, vector<1x16xf32>,
        %get3A_245 = vector.shape_cast %get3A_244 : vector<1x16xf32> to vector<16xf32>
        %add3A_246 = arith.addf %get3A_241, %get3A_245 : vector<16xf32>
        %swap3A_247 = arith.index_cast %add3A_195 : i32 to index
        %swap3A_248 = arith.constant 48 : index
        %swap3A_249 = tpu.vector_load %arg8[%swap3A_247, %swap3A_248] {strides = array<i32>} : memref<800x64xf32, #tpu.memory_space<vmem>>, vector<1x16xf32>,
        %swap3A_250 = vector.shape_cast %swap3A_249 : vector<1x16xf32> to vector<16xf32>
        %swap3A_251 = vector.shape_cast %add3A_246 : vector<16xf32> to vector<1x16xf32>
        tpu.vector_store %arg8[%swap3A_247, %swap3A_248], %swap3A_251 {strides = array<i32>} : memref<800x64xf32, #tpu.memory_space<vmem>>, vector<1x16xf32>,
        %add3A_252 = arith.constant 600 : i32
        %add3A_253 = arith.addi %add3A_252, %add3A_79 : i32
        %get3A_254 = arith.index_cast %add3A_253 : i32 to index
        %get3A_255 = arith.constant 0 : index
        %get3A_256 = tpu.vector_load %arg8[%get3A_254, %get3A_255] {strides = array<i32>} : memref<800x64xf32, #tpu.memory_space<vmem>>, vector<1x16xf32>,
        %get3A_257 = vector.shape_cast %get3A_256 : vector<1x16xf32> to vector<16xf32>
        %get3A_258 = arith.index_cast %add3A_79 : i32 to index
        %get3A_259 = arith.constant 0 : index
        %get3A_260 = tpu.vector_load %arg10[%get3A_258, %get3A_259] {strides = array<i32>} : memref<200x64xf32, #tpu.memory_space<vmem>>, vector<1x16xf32>,
        %get3A_261 = vector.shape_cast %get3A_260 : vector<1x16xf32> to vector<16xf32>
        %add3A_262 = arith.addf %get3A_257, %get3A_261 : vector<16xf32>
        %swap3A_263 = arith.index_cast %add3A_253 : i32 to index
        %swap3A_264 = arith.constant 0 : index
        %swap3A_265 = tpu.vector_load %arg8[%swap3A_263, %swap3A_264] {strides = array<i32>} : memref<800x64xf32, #tpu.memory_space<vmem>>, vector<1x16xf32>,
        %swap3A_266 = vector.shape_cast %swap3A_265 : vector<1x16xf32> to vector<16xf32>
        %swap3A_267 = vector.shape_cast %add3A_262 : vector<16xf32> to vector<1x16xf32>
        tpu.vector_store %arg8[%swap3A_263, %swap3A_264], %swap3A_267 {strides = array<i32>} : memref<800x64xf32, #tpu.memory_space<vmem>>, vector<1x16xf32>,
        %get3A_268 = arith.index_cast %add3A_253 : i32 to index
        %get3A_269 = arith.constant 16 : index
        %get3A_270 = tpu.vector_load %arg8[%get3A_268, %get3A_269] {strides = array<i32>} : memref<800x64xf32, #tpu.memory_space<vmem>>, vector<1x16xf32>,
        %get3A_271 = vector.shape_cast %get3A_270 : vector<1x16xf32> to vector<16xf32>
        %get3A_272 = arith.index_cast %add3A_79 : i32 to index
        %get3A_273 = arith.constant 16 : index
        %get3A_274 = tpu.vector_load %arg10[%get3A_272, %get3A_273] {strides = array<i32>} : memref<200x64xf32, #tpu.memory_space<vmem>>, vector<1x16xf32>,
        %get3A_275 = vector.shape_cast %get3A_274 : vector<1x16xf32> to vector<16xf32>
        %add3A_276 = arith.addf %get3A_271, %get3A_275 : vector<16xf32>
        %swap3A_277 = arith.index_cast %add3A_253 : i32 to index
        %swap3A_278 = arith.constant 16 : index
        %swap3A_279 = tpu.vector_load %arg8[%swap3A_277, %swap3A_278] {strides = array<i32>} : memref<800x64xf32, #tpu.memory_space<vmem>>, vector<1x16xf32>,
        %swap3A_280 = vector.shape_cast %swap3A_279 : vector<1x16xf32> to vector<16xf32>
        %swap3A_281 = vector.shape_cast %add3A_276 : vector<16xf32> to vector<1x16xf32>
        tpu.vector_store %arg8[%swap3A_277, %swap3A_278], %swap3A_281 {strides = array<i32>} : memref<800x64xf32, #tpu.memory_space<vmem>>, vector<1x16xf32>,
        %get3A_282 = arith.index_cast %add3A_253 : i32 to index
        %get3A_283 = arith.constant 32 : index
        %get3A_284 = tpu.vector_load %arg8[%get3A_282, %get3A_283] {strides = array<i32>} : memref<800x64xf32, #tpu.memory_space<vmem>>, vector<1x16xf32>,
        %get3A_285 = vector.shape_cast %get3A_284 : vector<1x16xf32> to vector<16xf32>
        %get3A_286 = arith.index_cast %add3A_79 : i32 to index
        %get3A_287 = arith.constant 32 : index
        %get3A_288 = tpu.vector_load %arg10[%get3A_286, %get3A_287] {strides = array<i32>} : memref<200x64xf32, #tpu.memory_space<vmem>>, vector<1x16xf32>,
        %get3A_289 = vector.shape_cast %get3A_288 : vector<1x16xf32> to vector<16xf32>
        %add3A_290 = arith.addf %get3A_285, %get3A_289 : vector<16xf32>
        %swap3A_291 = arith.index_cast %add3A_253 : i32 to index
        %swap3A_292 = arith.constant 32 : index
        %swap3A_293 = tpu.vector_load %arg8[%swap3A_291, %swap3A_292] {strides = array<i32>} : memref<800x64xf32, #tpu.memory_space<vmem>>, vector<1x16xf32>,
        %swap3A_294 = vector.shape_cast %swap3A_293 : vector<1x16xf32> to vector<16xf32>
        %swap3A_295 = vector.shape_cast %add3A_290 : vector<16xf32> to vector<1x16xf32>
        tpu.vector_store %arg8[%swap3A_291, %swap3A_292], %swap3A_295 {strides = array<i32>} : memref<800x64xf32, #tpu.memory_space<vmem>>, vector<1x16xf32>,
        %get3A_296 = arith.index_cast %add3A_253 : i32 to index
        %get3A_297 = arith.constant 48 : index
        %get3A_298 = tpu.vector_load %arg8[%get3A_296, %get3A_297] {strides = array<i32>} : memref<800x64xf32, #tpu.memory_space<vmem>>, vector<1x16xf32>,
        %get3A_299 = vector.shape_cast %get3A_298 : vector<1x16xf32> to vector<16xf32>
        %get3A_300 = arith.index_cast %add3A_79 : i32 to index
        %get3A_301 = arith.constant 48 : index
        %get3A_302 = tpu.vector_load %arg10[%get3A_300, %get3A_301] {strides = array<i32>} : memref<200x64xf32, #tpu.memory_space<vmem>>, vector<1x16xf32>,
        %get3A_303 = vector.shape_cast %get3A_302 : vector<1x16xf32> to vector<16xf32>
        %add3A_304 = arith.addf %get3A_299, %get3A_303 : vector<16xf32>
        %swap3A_305 = arith.index_cast %add3A_253 : i32 to index
        %swap3A_306 = arith.constant 48 : index
        %swap3A_307 = tpu.vector_load %arg8[%swap3A_305, %swap3A_306] {strides = array<i32>} : memref<800x64xf32, #tpu.memory_space<vmem>>, vector<1x16xf32>,
        %swap3A_308 = vector.shape_cast %swap3A_307 : vector<1x16xf32> to vector<16xf32>
        %swap3A_309 = vector.shape_cast %add3A_304 : vector<16xf32> to vector<1x16xf32>
        tpu.vector_store %arg8[%swap3A_305, %swap3A_306], %swap3A_309 {strides = array<i32>} : memref<800x64xf32, #tpu.memory_space<vmem>>, vector<1x16xf32>,
        %mul3A_310 = arith.constant 2 : i32
        %mul3A_311 = arith.muli %scan3A_75, %mul3A_310 : i32
        %add3A_312 = arith.constant 1 : i32
        %add3A_313 = arith.addi %mul3A_311, %add3A_312 : i32
        %add3A_314 = arith.constant 0 : i32
        %add3A_315 = arith.addi %add3A_314, %add3A_313 : i32
        %get3A_316 = arith.index_cast %add3A_315 : i32 to index
        %get3A_317 = arith.constant 0 : index
        %get3A_318 = tpu.vector_load %arg8[%get3A_316, %get3A_317] {strides = array<i32>} : memref<800x64xf32, #tpu.memory_space<vmem>>, vector<1x16xf32>,
        %get3A_319 = vector.shape_cast %get3A_318 : vector<1x16xf32> to vector<16xf32>
        %get3A_320 = arith.index_cast %add3A_313 : i32 to index
        %get3A_321 = arith.constant 0 : index
        %get3A_322 = tpu.vector_load %arg10[%get3A_320, %get3A_321] {strides = array<i32>} : memref<200x64xf32, #tpu.memory_space<vmem>>, vector<1x16xf32>,
        %get3A_323 = vector.shape_cast %get3A_322 : vector<1x16xf32> to vector<16xf32>
        %add3A_324 = arith.addf %get3A_319, %get3A_323 : vector<16xf32>
        %swap3A_325 = arith.index_cast %add3A_315 : i32 to index
        %swap3A_326 = arith.constant 0 : index
        %swap3A_327 = tpu.vector_load %arg8[%swap3A_325, %swap3A_326] {strides = array<i32>} : memref<800x64xf32, #tpu.memory_space<vmem>>, vector<1x16xf32>,
        %swap3A_328 = vector.shape_cast %swap3A_327 : vector<1x16xf32> to vector<16xf32>
        %swap3A_329 = vector.shape_cast %add3A_324 : vector<16xf32> to vector<1x16xf32>
        tpu.vector_store %arg8[%swap3A_325, %swap3A_326], %swap3A_329 {strides = array<i32>} : memref<800x64xf32, #tpu.memory_space<vmem>>, vector<1x16xf32>,
        %get3A_330 = arith.index_cast %add3A_315 : i32 to index
        %get3A_331 = arith.constant 16 : index
        %get3A_332 = tpu.vector_load %arg8[%get3A_330, %get3A_331] {strides = array<i32>} : memref<800x64xf32, #tpu.memory_space<vmem>>, vector<1x16xf32>,
        %get3A_333 = vector.shape_cast %get3A_332 : vector<1x16xf32> to vector<16xf32>
        %get3A_334 = arith.index_cast %add3A_313 : i32 to index
        %get3A_335 = arith.constant 16 : index
        %get3A_336 = tpu.vector_load %arg10[%get3A_334, %get3A_335] {strides = array<i32>} : memref<200x64xf32, #tpu.memory_space<vmem>>, vector<1x16xf32>,
        %get3A_337 = vector.shape_cast %get3A_336 : vector<1x16xf32> to vector<16xf32>
        %add3A_338 = arith.addf %get3A_333, %get3A_337 : vector<16xf32>
        %swap3A_339 = arith.index_cast %add3A_315 : i32 to index
        %swap3A_340 = arith.constant 16 : index
        %swap3A_341 = tpu.vector_load %arg8[%swap3A_339, %swap3A_340] {strides = array<i32>} : memref<800x64xf32, #tpu.memory_space<vmem>>, vector<1x16xf32>,
        %swap3A_342 = vector.shape_cast %swap3A_341 : vector<1x16xf32> to vector<16xf32>
        %swap3A_343 = vector.shape_cast %add3A_338 : vector<16xf32> to vector<1x16xf32>
        tpu.vector_store %arg8[%swap3A_339, %swap3A_340], %swap3A_343 {strides = array<i32>} : memref<800x64xf32, #tpu.memory_space<vmem>>, vector<1x16xf32>,
        %get3A_344 = arith.index_cast %add3A_315 : i32 to index
        %get3A_345 = arith.constant 32 : index
        %get3A_346 = tpu.vector_load %arg8[%get3A_344, %get3A_345] {strides = array<i32>} : memref<800x64xf32, #tpu.memory_space<vmem>>, vector<1x16xf32>,
        %get3A_347 = vector.shape_cast %get3A_346 : vector<1x16xf32> to vector<16xf32>
        %get3A_348 = arith.index_cast %add3A_313 : i32 to index
        %get3A_349 = arith.constant 32 : index
        %get3A_350 = tpu.vector_load %arg10[%get3A_348, %get3A_349] {strides = array<i32>} : memref<200x64xf32, #tpu.memory_space<vmem>>, vector<1x16xf32>,
        %get3A_351 = vector.shape_cast %get3A_350 : vector<1x16xf32> to vector<16xf32>
        %add3A_352 = arith.addf %get3A_347, %get3A_351 : vector<16xf32>
        %swap3A_353 = arith.index_cast %add3A_315 : i32 to index
        %swap3A_354 = arith.constant 32 : index
        %swap3A_355 = tpu.vector_load %arg8[%swap3A_353, %swap3A_354] {strides = array<i32>} : memref<800x64xf32, #tpu.memory_space<vmem>>, vector<1x16xf32>,
        %swap3A_356 = vector.shape_cast %swap3A_355 : vector<1x16xf32> to vector<16xf32>
        %swap3A_357 = vector.shape_cast %add3A_352 : vector<16xf32> to vector<1x16xf32>
        tpu.vector_store %arg8[%swap3A_353, %swap3A_354], %swap3A_357 {strides = array<i32>} : memref<800x64xf32, #tpu.memory_space<vmem>>, vector<1x16xf32>,
        %get3A_358 = arith.index_cast %add3A_315 : i32 to index
        %get3A_359 = arith.constant 48 : index
        %get3A_360 = tpu.vector_load %arg8[%get3A_358, %get3A_359] {strides = array<i32>} : memref<800x64xf32, #tpu.memory_space<vmem>>, vector<1x16xf32>,
        %get3A_361 = vector.shape_cast %get3A_360 : vector<1x16xf32> to vector<16xf32>
        %get3A_362 = arith.index_cast %add3A_313 : i32 to index
        %get3A_363 = arith.constant 48 : index
        %get3A_364 = tpu.vector_load %arg10[%get3A_362, %get3A_363] {strides = array<i32>} : memref<200x64xf32, #tpu.memory_space<vmem>>, vector<1x16xf32>,
        %get3A_365 = vector.shape_cast %get3A_364 : vector<1x16xf32> to vector<16xf32>
        %add3A_366 = arith.addf %get3A_361, %get3A_365 : vector<16xf32>
        %swap3A_367 = arith.index_cast %add3A_315 : i32 to index
        %swap3A_368 = arith.constant 48 : index
        %swap3A_369 = tpu.vector_load %arg8[%swap3A_367, %swap3A_368] {strides = array<i32>} : memref<800x64xf32, #tpu.memory_space<vmem>>, vector<1x16xf32>,
        %swap3A_370 = vector.shape_cast %swap3A_369 : vector<1x16xf32> to vector<16xf32>
        %swap3A_371 = vector.shape_cast %add3A_366 : vector<16xf32> to vector<1x16xf32>
        tpu.vector_store %arg8[%swap3A_367, %swap3A_368], %swap3A_371 {strides = array<i32>} : memref<800x64xf32, #tpu.memory_space<vmem>>, vector<1x16xf32>,
        %add3A_372 = arith.constant 200 : i32
        %add3A_373 = arith.addi %add3A_372, %add3A_313 : i32
        %get3A_374 = arith.index_cast %add3A_373 : i32 to index
        %get3A_375 = arith.constant 0 : index
        %get3A_376 = tpu.vector_load %arg8[%get3A_374, %get3A_375] {strides = array<i32>} : memref<800x64xf32, #tpu.memory_space<vmem>>, vector<1x16xf32>,
        %get3A_377 = vector.shape_cast %get3A_376 : vector<1x16xf32> to vector<16xf32>
        %get3A_378 = arith.index_cast %add3A_313 : i32 to index
        %get3A_379 = arith.constant 0 : index
        %get3A_380 = tpu.vector_load %arg10[%get3A_378, %get3A_379] {strides = array<i32>} : memref<200x64xf32, #tpu.memory_space<vmem>>, vector<1x16xf32>,
        %get3A_381 = vector.shape_cast %get3A_380 : vector<1x16xf32> to vector<16xf32>
        %add3A_382 = arith.addf %get3A_377, %get3A_381 : vector<16xf32>
        %swap3A_383 = arith.index_cast %add3A_373 : i32 to index
        %swap3A_384 = arith.constant 0 : index
        %swap3A_385 = tpu.vector_load %arg8[%swap3A_383, %swap3A_384] {strides = array<i32>} : memref<800x64xf32, #tpu.memory_space<vmem>>, vector<1x16xf32>,
        %swap3A_386 = vector.shape_cast %swap3A_385 : vector<1x16xf32> to vector<16xf32>
        %swap3A_387 = vector.shape_cast %add3A_382 : vector<16xf32> to vector<1x16xf32>
        tpu.vector_store %arg8[%swap3A_383, %swap3A_384], %swap3A_387 {strides = array<i32>} : memref<800x64xf32, #tpu.memory_space<vmem>>, vector<1x16xf32>,
        %get3A_388 = arith.index_cast %add3A_373 : i32 to index
        %get3A_389 = arith.constant 16 : index
        %get3A_390 = tpu.vector_load %arg8[%get3A_388, %get3A_389] {strides = array<i32>} : memref<800x64xf32, #tpu.memory_space<vmem>>, vector<1x16xf32>,
        %get3A_391 = vector.shape_cast %get3A_390 : vector<1x16xf32> to vector<16xf32>
        %get3A_392 = arith.index_cast %add3A_313 : i32 to index
        %get3A_393 = arith.constant 16 : index
        %get3A_394 = tpu.vector_load %arg10[%get3A_392, %get3A_393] {strides = array<i32>} : memref<200x64xf32, #tpu.memory_space<vmem>>, vector<1x16xf32>,
        %get3A_395 = vector.shape_cast %get3A_394 : vector<1x16xf32> to vector<16xf32>
        %add3A_396 = arith.addf %get3A_391, %get3A_395 : vector<16xf32>
        %swap3A_397 = arith.index_cast %add3A_373 : i32 to index
        %swap3A_398 = arith.constant 16 : index
        %swap3A_399 = tpu.vector_load %arg8[%swap3A_397, %swap3A_398] {strides = array<i32>} : memref<800x64xf32, #tpu.memory_space<vmem>>, vector<1x16xf32>,
        %swap3A_400 = vector.shape_cast %swap3A_399 : vector<1x16xf32> to vector<16xf32>
        %swap3A_401 = vector.shape_cast %add3A_396 : vector<16xf32> to vector<1x16xf32>
        tpu.vector_store %arg8[%swap3A_397, %swap3A_398], %swap3A_401 {strides = array<i32>} : memref<800x64xf32, #tpu.memory_space<vmem>>, vector<1x16xf32>,
        %get3A_402 = arith.index_cast %add3A_373 : i32 to index
        %get3A_403 = arith.constant 32 : index
        %get3A_404 = tpu.vector_load %arg8[%get3A_402, %get3A_403] {strides = array<i32>} : memref<800x64xf32, #tpu.memory_space<vmem>>, vector<1x16xf32>,
        %get3A_405 = vector.shape_cast %get3A_404 : vector<1x16xf32> to vector<16xf32>
        %get3A_406 = arith.index_cast %add3A_313 : i32 to index
        %get3A_407 = arith.constant 32 : index
        %get3A_408 = tpu.vector_load %arg10[%get3A_406, %get3A_407] {strides = array<i32>} : memref<200x64xf32, #tpu.memory_space<vmem>>, vector<1x16xf32>,
        %get3A_409 = vector.shape_cast %get3A_408 : vector<1x16xf32> to vector<16xf32>
        %add3A_410 = arith.addf %get3A_405, %get3A_409 : vector<16xf32>
        %swap3A_411 = arith.index_cast %add3A_373 : i32 to index
        %swap3A_412 = arith.constant 32 : index
        %swap3A_413 = tpu.vector_load %arg8[%swap3A_411, %swap3A_412] {strides = array<i32>} : memref<800x64xf32, #tpu.memory_space<vmem>>, vector<1x16xf32>,
        %swap3A_414 = vector.shape_cast %swap3A_413 : vector<1x16xf32> to vector<16xf32>
        %swap3A_415 = vector.shape_cast %add3A_410 : vector<16xf32> to vector<1x16xf32>
        tpu.vector_store %arg8[%swap3A_411, %swap3A_412], %swap3A_415 {strides = array<i32>} : memref<800x64xf32, #tpu.memory_space<vmem>>, vector<1x16xf32>,
        %get3A_416 = arith.index_cast %add3A_373 : i32 to index
        %get3A_417 = arith.constant 48 : index
        %get3A_418 = tpu.vector_load %arg8[%get3A_416, %get3A_417] {strides = array<i32>} : memref<800x64xf32, #tpu.memory_space<vmem>>, vector<1x16xf32>,
        %get3A_419 = vector.shape_cast %get3A_418 : vector<1x16xf32> to vector<16xf32>
        %get3A_420 = arith.index_cast %add3A_313 : i32 to index
        %get3A_421 = arith.constant 48 : index
        %get3A_422 = tpu.vector_load %arg10[%get3A_420, %get3A_421] {strides = array<i32>} : memref<200x64xf32, #tpu.memory_space<vmem>>, vector<1x16xf32>,
        %get3A_423 = vector.shape_cast %get3A_422 : vector<1x16xf32> to vector<16xf32>
        %add3A_424 = arith.addf %get3A_419, %get3A_423 : vector<16xf32>
        %swap3A_425 = arith.index_cast %add3A_373 : i32 to index
        %swap3A_426 = arith.constant 48 : index
        %swap3A_427 = tpu.vector_load %arg8[%swap3A_425, %swap3A_426] {strides = array<i32>} : memref<800x64xf32, #tpu.memory_space<vmem>>, vector<1x16xf32>,
        %swap3A_428 = vector.shape_cast %swap3A_427 : vector<1x16xf32> to vector<16xf32>
        %swap3A_429 = vector.shape_cast %add3A_424 : vector<16xf32> to vector<1x16xf32>
        tpu.vector_store %arg8[%swap3A_425, %swap3A_426], %swap3A_429 {strides = array<i32>} : memref<800x64xf32, #tpu.memory_space<vmem>>, vector<1x16xf32>,
        %add3A_430 = arith.constant 400 : i32
        %add3A_431 = arith.addi %add3A_430, %add3A_313 : i32
        %get3A_432 = arith.index_cast %add3A_431 : i32 to index
        %get3A_433 = arith.constant 0 : index
        %get3A_434 = tpu.vector_load %arg8[%get3A_432, %get3A_433] {strides = array<i32>} : memref<800x64xf32, #tpu.memory_space<vmem>>, vector<1x16xf32>,
        %get3A_435 = vector.shape_cast %get3A_434 : vector<1x16xf32> to vector<16xf32>
        %get3A_436 = arith.index_cast %add3A_313 : i32 to index
        %get3A_437 = arith.constant 0 : index
        %get3A_438 = tpu.vector_load %arg10[%get3A_436, %get3A_437] {strides = array<i32>} : memref<200x64xf32, #tpu.memory_space<vmem>>, vector<1x16xf32>,
        %get3A_439 = vector.shape_cast %get3A_438 : vector<1x16xf32> to vector<16xf32>
        %add3A_440 = arith.addf %get3A_435, %get3A_439 : vector<16xf32>
        %swap3A_441 = arith.index_cast %add3A_431 : i32 to index
        %swap3A_442 = arith.constant 0 : index
        %swap3A_443 = tpu.vector_load %arg8[%swap3A_441, %swap3A_442] {strides = array<i32>} : memref<800x64xf32, #tpu.memory_space<vmem>>, vector<1x16xf32>,
        %swap3A_444 = vector.shape_cast %swap3A_443 : vector<1x16xf32> to vector<16xf32>
        %swap3A_445 = vector.shape_cast %add3A_440 : vector<16xf32> to vector<1x16xf32>
        tpu.vector_store %arg8[%swap3A_441, %swap3A_442], %swap3A_445 {strides = array<i32>} : memref<800x64xf32, #tpu.memory_space<vmem>>, vector<1x16xf32>,
        %get3A_446 = arith.index_cast %add3A_431 : i32 to index
        %get3A_447 = arith.constant 16 : index
        %get3A_448 = tpu.vector_load %arg8[%get3A_446, %get3A_447] {strides = array<i32>} : memref<800x64xf32, #tpu.memory_space<vmem>>, vector<1x16xf32>,
        %get3A_449 = vector.shape_cast %get3A_448 : vector<1x16xf32> to vector<16xf32>
        %get3A_450 = arith.index_cast %add3A_313 : i32 to index
        %get3A_451 = arith.constant 16 : index
        %get3A_452 = tpu.vector_load %arg10[%get3A_450, %get3A_451] {strides = array<i32>} : memref<200x64xf32, #tpu.memory_space<vmem>>, vector<1x16xf32>,
        %get3A_453 = vector.shape_cast %get3A_452 : vector<1x16xf32> to vector<16xf32>
        %add3A_454 = arith.addf %get3A_449, %get3A_453 : vector<16xf32>
        %swap3A_455 = arith.index_cast %add3A_431 : i32 to index
        %swap3A_456 = arith.constant 16 : index
        %swap3A_457 = tpu.vector_load %arg8[%swap3A_455, %swap3A_456] {strides = array<i32>} : memref<800x64xf32, #tpu.memory_space<vmem>>, vector<1x16xf32>,
        %swap3A_458 = vector.shape_cast %swap3A_457 : vector<1x16xf32> to vector<16xf32>
        %swap3A_459 = vector.shape_cast %add3A_454 : vector<16xf32> to vector<1x16xf32>
        tpu.vector_store %arg8[%swap3A_455, %swap3A_456], %swap3A_459 {strides = array<i32>} : memref<800x64xf32, #tpu.memory_space<vmem>>, vector<1x16xf32>,
        %get3A_460 = arith.index_cast %add3A_431 : i32 to index
        %get3A_461 = arith.constant 32 : index
        %get3A_462 = tpu.vector_load %arg8[%get3A_460, %get3A_461] {strides = array<i32>} : memref<800x64xf32, #tpu.memory_space<vmem>>, vector<1x16xf32>,
        %get3A_463 = vector.shape_cast %get3A_462 : vector<1x16xf32> to vector<16xf32>
        %get3A_464 = arith.index_cast %add3A_313 : i32 to index
        %get3A_465 = arith.constant 32 : index
        %get3A_466 = tpu.vector_load %arg10[%get3A_464, %get3A_465] {strides = array<i32>} : memref<200x64xf32, #tpu.memory_space<vmem>>, vector<1x16xf32>,
        %get3A_467 = vector.shape_cast %get3A_466 : vector<1x16xf32> to vector<16xf32>
        %add3A_468 = arith.addf %get3A_463, %get3A_467 : vector<16xf32>
        %swap3A_469 = arith.index_cast %add3A_431 : i32 to index
        %swap3A_470 = arith.constant 32 : index
        %swap3A_471 = tpu.vector_load %arg8[%swap3A_469, %swap3A_470] {strides = array<i32>} : memref<800x64xf32, #tpu.memory_space<vmem>>, vector<1x16xf32>,
        %swap3A_472 = vector.shape_cast %swap3A_471 : vector<1x16xf32> to vector<16xf32>
        %swap3A_473 = vector.shape_cast %add3A_468 : vector<16xf32> to vector<1x16xf32>
        tpu.vector_store %arg8[%swap3A_469, %swap3A_470], %swap3A_473 {strides = array<i32>} : memref<800x64xf32, #tpu.memory_space<vmem>>, vector<1x16xf32>,
        %get3A_474 = arith.index_cast %add3A_431 : i32 to index
        %get3A_475 = arith.constant 48 : index
        %get3A_476 = tpu.vector_load %arg8[%get3A_474, %get3A_475] {strides = array<i32>} : memref<800x64xf32, #tpu.memory_space<vmem>>, vector<1x16xf32>,
        %get3A_477 = vector.shape_cast %get3A_476 : vector<1x16xf32> to vector<16xf32>
        %get3A_478 = arith.index_cast %add3A_313 : i32 to index
        %get3A_479 = arith.constant 48 : index
        %get3A_480 = tpu.vector_load %arg10[%get3A_478, %get3A_479] {strides = array<i32>} : memref<200x64xf32, #tpu.memory_space<vmem>>, vector<1x16xf32>,
        %get3A_481 = vector.shape_cast %get3A_480 : vector<1x16xf32> to vector<16xf32>
        %add3A_482 = arith.addf %get3A_477, %get3A_481 : vector<16xf32>
        %swap3A_483 = arith.index_cast %add3A_431 : i32 to index
        %swap3A_484 = arith.constant 48 : index
        %swap3A_485 = tpu.vector_load %arg8[%swap3A_483, %swap3A_484] {strides = array<i32>} : memref<800x64xf32, #tpu.memory_space<vmem>>, vector<1x16xf32>,
        %swap3A_486 = vector.shape_cast %swap3A_485 : vector<1x16xf32> to vector<16xf32>
        %swap3A_487 = vector.shape_cast %add3A_482 : vector<16xf32> to vector<1x16xf32>
        tpu.vector_store %arg8[%swap3A_483, %swap3A_484], %swap3A_487 {strides = array<i32>} : memref<800x64xf32, #tpu.memory_space<vmem>>, vector<1x16xf32>,
        %add3A_488 = arith.constant 600 : i32
        %add3A_489 = arith.addi %add3A_488, %add3A_313 : i32
        %get3A_490 = arith.index_cast %add3A_489 : i32 to index
        %get3A_491 = arith.constant 0 : index
        %get3A_492 = tpu.vector_load %arg8[%get3A_490, %get3A_491] {strides = array<i32>} : memref<800x64xf32, #tpu.memory_space<vmem>>, vector<1x16xf32>,
        %get3A_493 = vector.shape_cast %get3A_492 : vector<1x16xf32> to vector<16xf32>
        %get3A_494 = arith.index_cast %add3A_313 : i32 to index
        %get3A_495 = arith.constant 0 : index
        %get3A_496 = tpu.vector_load %arg10[%get3A_494, %get3A_495] {strides = array<i32>} : memref<200x64xf32, #tpu.memory_space<vmem>>, vector<1x16xf32>,
        %get3A_497 = vector.shape_cast %get3A_496 : vector<1x16xf32> to vector<16xf32>
        %add3A_498 = arith.addf %get3A_493, %get3A_497 : vector<16xf32>
        %swap3A_499 = arith.index_cast %add3A_489 : i32 to index
        %swap3A_500 = arith.constant 0 : index
        %swap3A_501 = tpu.vector_load %arg8[%swap3A_499, %swap3A_500] {strides = array<i32>} : memref<800x64xf32, #tpu.memory_space<vmem>>, vector<1x16xf32>,
        %swap3A_502 = vector.shape_cast %swap3A_501 : vector<1x16xf32> to vector<16xf32>
        %swap3A_503 = vector.shape_cast %add3A_498 : vector<16xf32> to vector<1x16xf32>
        tpu.vector_store %arg8[%swap3A_499, %swap3A_500], %swap3A_503 {strides = array<i32>} : memref<800x64xf32, #tpu.memory_space<vmem>>, vector<1x16xf32>,
        %get3A_504 = arith.index_cast %add3A_489 : i32 to index
        %get3A_505 = arith.constant 16 : index
        %get3A_506 = tpu.vector_load %arg8[%get3A_504, %get3A_505] {strides = array<i32>} : memref<800x64xf32, #tpu.memory_space<vmem>>, vector<1x16xf32>,
        %get3A_507 = vector.shape_cast %get3A_506 : vector<1x16xf32> to vector<16xf32>
        %get3A_508 = arith.index_cast %add3A_313 : i32 to index
        %get3A_509 = arith.constant 16 : index
        %get3A_510 = tpu.vector_load %arg10[%get3A_508, %get3A_509] {strides = array<i32>} : memref<200x64xf32, #tpu.memory_space<vmem>>, vector<1x16xf32>,
        %get3A_511 = vector.shape_cast %get3A_510 : vector<1x16xf32> to vector<16xf32>
        %add3A_512 = arith.addf %get3A_507, %get3A_511 : vector<16xf32>
        %swap3A_513 = arith.index_cast %add3A_489 : i32 to index
        %swap3A_514 = arith.constant 16 : index
        %swap3A_515 = tpu.vector_load %arg8[%swap3A_513, %swap3A_514] {strides = array<i32>} : memref<800x64xf32, #tpu.memory_space<vmem>>, vector<1x16xf32>,
        %swap3A_516 = vector.shape_cast %swap3A_515 : vector<1x16xf32> to vector<16xf32>
        %swap3A_517 = vector.shape_cast %add3A_512 : vector<16xf32> to vector<1x16xf32>
        tpu.vector_store %arg8[%swap3A_513, %swap3A_514], %swap3A_517 {strides = array<i32>} : memref<800x64xf32, #tpu.memory_space<vmem>>, vector<1x16xf32>,
        %get3A_518 = arith.index_cast %add3A_489 : i32 to index
        %get3A_519 = arith.constant 32 : index
        %get3A_520 = tpu.vector_load %arg8[%get3A_518, %get3A_519] {strides = array<i32>} : memref<800x64xf32, #tpu.memory_space<vmem>>, vector<1x16xf32>,
        %get3A_521 = vector.shape_cast %get3A_520 : vector<1x16xf32> to vector<16xf32>
        %get3A_522 = arith.index_cast %add3A_313 : i32 to index
        %get3A_523 = arith.constant 32 : index
        %get3A_524 = tpu.vector_load %arg10[%get3A_522, %get3A_523] {strides = array<i32>} : memref<200x64xf32, #tpu.memory_space<vmem>>, vector<1x16xf32>,
        %get3A_525 = vector.shape_cast %get3A_524 : vector<1x16xf32> to vector<16xf32>
        %add3A_526 = arith.addf %get3A_521, %get3A_525 : vector<16xf32>
        %swap3A_527 = arith.index_cast %add3A_489 : i32 to index
        %swap3A_528 = arith.constant 32 : index
        %swap3A_529 = tpu.vector_load %arg8[%swap3A_527, %swap3A_528] {strides = array<i32>} : memref<800x64xf32, #tpu.memory_space<vmem>>, vector<1x16xf32>,
        %swap3A_530 = vector.shape_cast %swap3A_529 : vector<1x16xf32> to vector<16xf32>
        %swap3A_531 = vector.shape_cast %add3A_526 : vector<16xf32> to vector<1x16xf32>
        tpu.vector_store %arg8[%swap3A_527, %swap3A_528], %swap3A_531 {strides = array<i32>} : memref<800x64xf32, #tpu.memory_space<vmem>>, vector<1x16xf32>,
        %get3A_532 = arith.index_cast %add3A_489 : i32 to index
        %get3A_533 = arith.constant 48 : index
        %get3A_534 = tpu.vector_load %arg8[%get3A_532, %get3A_533] {strides = array<i32>} : memref<800x64xf32, #tpu.memory_space<vmem>>, vector<1x16xf32>,
        %get3A_535 = vector.shape_cast %get3A_534 : vector<1x16xf32> to vector<16xf32>
        %get3A_536 = arith.index_cast %add3A_313 : i32 to index
        %get3A_537 = arith.constant 48 : index
        %get3A_538 = tpu.vector_load %arg10[%get3A_536, %get3A_537] {strides = array<i32>} : memref<200x64xf32, #tpu.memory_space<vmem>>, vector<1x16xf32>,
        %get3A_539 = vector.shape_cast %get3A_538 : vector<1x16xf32> to vector<16xf32>
        %add3A_540 = arith.addf %get3A_535, %get3A_539 : vector<16xf32>
        %swap3A_541 = arith.index_cast %add3A_489 : i32 to index
        %swap3A_542 = arith.constant 48 : index
        %swap3A_543 = tpu.vector_load %arg8[%swap3A_541, %swap3A_542] {strides = array<i32>} : memref<800x64xf32, #tpu.memory_space<vmem>>, vector<1x16xf32>,
        %swap3A_544 = vector.shape_cast %swap3A_543 : vector<1x16xf32> to vector<16xf32>
        %swap3A_545 = vector.shape_cast %add3A_540 : vector<16xf32> to vector<1x16xf32>
        tpu.vector_store %arg8[%swap3A_541, %swap3A_542], %swap3A_545 {strides = array<i32>} : memref<800x64xf32, #tpu.memory_space<vmem>>, vector<1x16xf32>,
      }
      %scan3A_40 = arith.constant 100 : i32
      %mul3A_41 = arith.constant 800 : i32
      %mul3A_42 = arith.muli %add3A_27, %mul3A_41 : i32
      %add3A_43 = arith.addi %mul3A_2, %mul3A_42 : i32
      %dma_start3A_44 = arith.constant 0 : i32
      %dma_start3A_45 = tpu.memref_slice %arg5[%add3A_43, %dma_start3A_44] : memref<819200x64xf32, #tpu.memory_space<hbm>> -> memref<800x64xf32, #tpu.memory_space<hbm>>
      %dma_start3A_46 = arith.constant 0 : i32
      %dma_start3A_47 = tpu.memref_slice %arg5[%add3A_43, %dma_start3A_46] : memref<819200x64xf32, #tpu.memory_space<hbm>> -> memref<800x64xf32, #tpu.memory_space<hbm>>
      tpu.enqueue_dma source(%arg8 : memref<800x64xf32, #tpu.memory_space<vmem>>) target(%dma_start3A_47 : memref<800x64xf32, #tpu.memory_space<hbm>>) target_semaphore(%arg13 : memref<!tpu.dma_semaphore, #tpu.memory_space<semaphore_mem>>)
      %mul3A_48 = arith.constant 2 : i32
      %mul3A_49 = arith.muli %scan3A_23, %mul3A_48 : i32
      %add3A_50 = arith.constant 1 : i32
      %add3A_51 = arith.addi %mul3A_49, %add3A_50 : i32
      %add3A_52 = arith.constant 1 : i32
      %add3A_53 = arith.addi %add3A_51, %add3A_52 : i32
      %lt3A_54 = arith.constant 32 : i32
      %lt3A_55 = arith.cmpi slt, %add3A_53, %lt3A_54 : i32
      %convert_element_type3A_56 = arith.extui %lt3A_55 : i1 to i32
      %cond3A_57 = arith.constant 0 : i32
      %cond3A_58 = arith.cmpi ne, %convert_element_type3A_56, %cond3A_57 : i32
      scf.if %cond3A_58 {
        %ge3A = arith.constant 1 : i32
        %ge3A_75 = arith.cmpi sge, %add3A_51, %ge3A : i32
        %convert_element_type3A_76 = arith.extui %ge3A_75 : i1 to i32
        %cond3A_77 = arith.constant 0 : i32
        %cond3A_78 = arith.cmpi ne, %convert_element_type3A_76, %cond3A_77 : i32
        scf.if %cond3A_78 {
          %sub3A = arith.constant 1 : i32
          %sub3A_87 = arith.subi %add3A_51, %sub3A : i32
          %mul3A_88 = arith.constant 800 : i32
          %mul3A_89 = arith.muli %sub3A_87, %mul3A_88 : i32
          %add3A_90 = arith.addi %mul3A_2, %mul3A_89 : i32
          %dma_wait3A_91 = arith.constant 0 : i32
          %dma_wait3A_92 = tpu.memref_slice %arg5[%add3A_90, %dma_wait3A_91] : memref<819200x64xf32, #tpu.memory_space<hbm>> -> memref<800x64xf32, #tpu.memory_space<hbm>>
          %dma_wait3A_93 = arith.constant 0 : i32
          %dma_wait3A_94 = tpu.memref_slice %arg5[%add3A_90, %dma_wait3A_93] : memref<819200x64xf32, #tpu.memory_space<hbm>> -> memref<800x64xf32, #tpu.memory_space<hbm>>
          tpu.wait_dma2 semaphore(%arg13 : memref<!tpu.dma_semaphore, #tpu.memory_space<semaphore_mem>>) src(%arg8 : memref<800x64xf32, #tpu.memory_space<vmem>>) dst(%dma_wait3A_94 : memref<800x64xf32, #tpu.memory_space<hbm>>)
        } else {
        }
        %add3A_79 = arith.constant 1 : i32
        %add3A_80 = arith.addi %add3A_51, %add3A_79 : i32
        %mul3A_81 = arith.constant 800 : i32
        %mul3A_82 = arith.muli %add3A_80, %mul3A_81 : i32
        %add3A_83 = arith.addi %mul3A_2, %mul3A_82 : i32
        "tpu.region"() ({
          %run_scoped3A = tpu.sem_alloc : memref<!tpu.dma_semaphore, #tpu.memory_space<semaphore_mem>>
          %dma_start3A_87 = tpu.memref_slice %arg2[%add3A_83] : memref<819200xi32, #tpu.memory_space<hbm>> -> memref<800xi32, #tpu.memory_space<hbm>>
          %dma_start3A_88 = tpu.memref_slice %arg2[%add3A_83] : memref<819200xi32, #tpu.memory_space<hbm>> -> memref<800xi32, #tpu.memory_space<hbm>>
          tpu.enqueue_dma source(%dma_start3A_88 : memref<800xi32, #tpu.memory_space<hbm>>) target(%arg6 : memref<800xi32, #tpu.memory_space<vmem>>) target_semaphore(%run_scoped3A : memref<!tpu.dma_semaphore, #tpu.memory_space<semaphore_mem>>)
          %dma_wait3A_89 = tpu.memref_slice %arg2[%add3A_83] : memref<819200xi32, #tpu.memory_space<hbm>> -> memref<800xi32, #tpu.memory_space<hbm>>
          %dma_wait3A_90 = tpu.memref_slice %arg2[%add3A_83] : memref<819200xi32, #tpu.memory_space<hbm>> -> memref<800xi32, #tpu.memory_space<hbm>>
          tpu.wait_dma2 semaphore(%run_scoped3A : memref<!tpu.dma_semaphore, #tpu.memory_space<semaphore_mem>>) src(%dma_wait3A_90 : memref<800xi32, #tpu.memory_space<hbm>>) dst(%arg6 : memref<800xi32, #tpu.memory_space<vmem>>)
          tpu.yield
        }) : () -> ()
        %dma_start3A_84 = arith.constant 0 : i32
        %dma_start3A_85 = arith.constant 0 : i32
        %dma_start3A_86 = tpu.memref_slice %arg3[%dma_start3A_84, %dma_start3A_85] : memref<100000x64xf32, #tpu.memory_space<hbm>> -> memref<100000x64xf32, #tpu.memory_space<hbm>>
        tpu.enqueue_indirect_dma source(%dma_start3A_86 : memref<100000x64xf32, #tpu.memory_space<hbm>>) target(%arg8 : memref<800x64xf32, #tpu.memory_space<vmem>>) offsets(%arg6 : memref<800xi32, #tpu.memory_space<vmem>>) semaphore(%arg11 : memref<!tpu.dma_semaphore, #tpu.memory_space<semaphore_mem>>)
      } else {
      }
      %dma_wait3A_59 = arith.constant 0 : i32
      %dma_wait3A_60 = arith.constant 0 : i32
      %dma_wait3A_61 = tpu.memref_slice %arg3[%dma_wait3A_59, %dma_wait3A_60] : memref<100000x64xf32, #tpu.memory_space<hbm>> -> memref<100000x64xf32, #tpu.memory_space<hbm>>
      tpu.wait_indirect_dma semaphore(%arg12 : memref<!tpu.dma_semaphore, #tpu.memory_space<semaphore_mem>>) src(%dma_wait3A_61 : memref<100000x64xf32, #tpu.memory_space<hbm>>) dst(%arg9 : memref<800x64xf32, #tpu.memory_space<vmem>>)
      %scan3A_62 = arith.constant 0 : i32
      %scan3A_63 = arith.constant 0 : i32
      %scan3A_64 = arith.constant 100 : i32
      %scan3A_65 = arith.addi %scan3A_63, %scan3A_64 : i32
      %scan3A_66 = arith.constant 1 : i32
      scf.for %scan3A_75 = %scan3A_63 to %scan3A_65 step %scan3A_66  : i32 {
        %mul3A_76 = arith.constant 2 : i32
        %mul3A_77 = arith.muli %scan3A_75, %mul3A_76 : i32
        %add3A_78 = arith.constant 0 : i32
        %add3A_79 = arith.addi %mul3A_77, %add3A_78 : i32
        %add3A_80 = arith.constant 0 : i32
        %add3A_81 = arith.addi %add3A_80, %add3A_79 : i32
        %get3A = arith.index_cast %add3A_81 : i32 to index
        %get3A_82 = arith.constant 0 : index
        %get3A_83 = tpu.vector_load %arg9[%get3A, %get3A_82] {strides = array<i32>} : memref<800x64xf32, #tpu.memory_space<vmem>>, vector<1x16xf32>,
        %get3A_84 = vector.shape_cast %get3A_83 : vector<1x16xf32> to vector<16xf32>
        %get3A_85 = arith.index_cast %add3A_79 : i32 to index
        %get3A_86 = arith.constant 0 : index
        %get3A_87 = tpu.vector_load %arg10[%get3A_85, %get3A_86] {strides = array<i32>} : memref<200x64xf32, #tpu.memory_space<vmem>>, vector<1x16xf32>,
        %get3A_88 = vector.shape_cast %get3A_87 : vector<1x16xf32> to vector<16xf32>
        %add3A_89 = arith.addf %get3A_84, %get3A_88 : vector<16xf32>
        %swap3A = arith.index_cast %add3A_81 : i32 to index
        %swap3A_90 = arith.constant 0 : index
        %swap3A_91 = tpu.vector_load %arg9[%swap3A, %swap3A_90] {strides = array<i32>} : memref<800x64xf32, #tpu.memory_space<vmem>>, vector<1x16xf32>,
        %swap3A_92 = vector.shape_cast %swap3A_91 : vector<1x16xf32> to vector<16xf32>
        %swap3A_93 = vector.shape_cast %add3A_89 : vector<16xf32> to vector<1x16xf32>
        tpu.vector_store %arg9[%swap3A, %swap3A_90], %swap3A_93 {strides = array<i32>} : memref<800x64xf32, #tpu.memory_space<vmem>>, vector<1x16xf32>,
        %get3A_94 = arith.index_cast %add3A_81 : i32 to index
        %get3A_95 = arith.constant 16 : index
        %get3A_96 = tpu.vector_load %arg9[%get3A_94, %get3A_95] {strides = array<i32>} : memref<800x64xf32, #tpu.memory_space<vmem>>, vector<1x16xf32>,
        %get3A_97 = vector.shape_cast %get3A_96 : vector<1x16xf32> to vector<16xf32>
        %get3A_98 = arith.index_cast %add3A_79 : i32 to index
        %get3A_99 = arith.constant 16 : index
        %get3A_100 = tpu.vector_load %arg10[%get3A_98, %get3A_99] {strides = array<i32>} : memref<200x64xf32, #tpu.memory_space<vmem>>, vector<1x16xf32>,
        %get3A_101 = vector.shape_cast %get3A_100 : vector<1x16xf32> to vector<16xf32>
        %add3A_102 = arith.addf %get3A_97, %get3A_101 : vector<16xf32>
        %swap3A_103 = arith.index_cast %add3A_81 : i32 to index
        %swap3A_104 = arith.constant 16 : index
        %swap3A_105 = tpu.vector_load %arg9[%swap3A_103, %swap3A_104] {strides = array<i32>} : memref<800x64xf32, #tpu.memory_space<vmem>>, vector<1x16xf32>,
        %swap3A_106 = vector.shape_cast %swap3A_105 : vector<1x16xf32> to vector<16xf32>
        %swap3A_107 = vector.shape_cast %add3A_102 : vector<16xf32> to vector<1x16xf32>
        tpu.vector_store %arg9[%swap3A_103, %swap3A_104], %swap3A_107 {strides = array<i32>} : memref<800x64xf32, #tpu.memory_space<vmem>>, vector<1x16xf32>,
        %get3A_108 = arith.index_cast %add3A_81 : i32 to index
        %get3A_109 = arith.constant 32 : index
        %get3A_110 = tpu.vector_load %arg9[%get3A_108, %get3A_109] {strides = array<i32>} : memref<800x64xf32, #tpu.memory_space<vmem>>, vector<1x16xf32>,
        %get3A_111 = vector.shape_cast %get3A_110 : vector<1x16xf32> to vector<16xf32>
        %get3A_112 = arith.index_cast %add3A_79 : i32 to index
        %get3A_113 = arith.constant 32 : index
        %get3A_114 = tpu.vector_load %arg10[%get3A_112, %get3A_113] {strides = array<i32>} : memref<200x64xf32, #tpu.memory_space<vmem>>, vector<1x16xf32>,
        %get3A_115 = vector.shape_cast %get3A_114 : vector<1x16xf32> to vector<16xf32>
        %add3A_116 = arith.addf %get3A_111, %get3A_115 : vector<16xf32>
        %swap3A_117 = arith.index_cast %add3A_81 : i32 to index
        %swap3A_118 = arith.constant 32 : index
        %swap3A_119 = tpu.vector_load %arg9[%swap3A_117, %swap3A_118] {strides = array<i32>} : memref<800x64xf32, #tpu.memory_space<vmem>>, vector<1x16xf32>,
        %swap3A_120 = vector.shape_cast %swap3A_119 : vector<1x16xf32> to vector<16xf32>
        %swap3A_121 = vector.shape_cast %add3A_116 : vector<16xf32> to vector<1x16xf32>
        tpu.vector_store %arg9[%swap3A_117, %swap3A_118], %swap3A_121 {strides = array<i32>} : memref<800x64xf32, #tpu.memory_space<vmem>>, vector<1x16xf32>,
        %get3A_122 = arith.index_cast %add3A_81 : i32 to index
        %get3A_123 = arith.constant 48 : index
        %get3A_124 = tpu.vector_load %arg9[%get3A_122, %get3A_123] {strides = array<i32>} : memref<800x64xf32, #tpu.memory_space<vmem>>, vector<1x16xf32>,
        %get3A_125 = vector.shape_cast %get3A_124 : vector<1x16xf32> to vector<16xf32>
        %get3A_126 = arith.index_cast %add3A_79 : i32 to index
        %get3A_127 = arith.constant 48 : index
        %get3A_128 = tpu.vector_load %arg10[%get3A_126, %get3A_127] {strides = array<i32>} : memref<200x64xf32, #tpu.memory_space<vmem>>, vector<1x16xf32>,
        %get3A_129 = vector.shape_cast %get3A_128 : vector<1x16xf32> to vector<16xf32>
        %add3A_130 = arith.addf %get3A_125, %get3A_129 : vector<16xf32>
        %swap3A_131 = arith.index_cast %add3A_81 : i32 to index
        %swap3A_132 = arith.constant 48 : index
        %swap3A_133 = tpu.vector_load %arg9[%swap3A_131, %swap3A_132] {strides = array<i32>} : memref<800x64xf32, #tpu.memory_space<vmem>>, vector<1x16xf32>,
        %swap3A_134 = vector.shape_cast %swap3A_133 : vector<1x16xf32> to vector<16xf32>
        %swap3A_135 = vector.shape_cast %add3A_130 : vector<16xf32> to vector<1x16xf32>
        tpu.vector_store %arg9[%swap3A_131, %swap3A_132], %swap3A_135 {strides = array<i32>} : memref<800x64xf32, #tpu.memory_space<vmem>>, vector<1x16xf32>,
        %add3A_136 = arith.constant 200 : i32
        %add3A_137 = arith.addi %add3A_136, %add3A_79 : i32
        %get3A_138 = arith.index_cast %add3A_137 : i32 to index
        %get3A_139 = arith.constant 0 : index
        %get3A_140 = tpu.vector_load %arg9[%get3A_138, %get3A_139] {strides = array<i32>} : memref<800x64xf32, #tpu.memory_space<vmem>>, vector<1x16xf32>,
        %get3A_141 = vector.shape_cast %get3A_140 : vector<1x16xf32> to vector<16xf32>
        %get3A_142 = arith.index_cast %add3A_79 : i32 to index
        %get3A_143 = arith.constant 0 : index
        %get3A_144 = tpu.vector_load %arg10[%get3A_142, %get3A_143] {strides = array<i32>} : memref<200x64xf32, #tpu.memory_space<vmem>>, vector<1x16xf32>,
        %get3A_145 = vector.shape_cast %get3A_144 : vector<1x16xf32> to vector<16xf32>
        %add3A_146 = arith.addf %get3A_141, %get3A_145 : vector<16xf32>
        %swap3A_147 = arith.index_cast %add3A_137 : i32 to index
        %swap3A_148 = arith.constant 0 : index
        %swap3A_149 = tpu.vector_load %arg9[%swap3A_147, %swap3A_148] {strides = array<i32>} : memref<800x64xf32, #tpu.memory_space<vmem>>, vector<1x16xf32>,
        %swap3A_150 = vector.shape_cast %swap3A_149 : vector<1x16xf32> to vector<16xf32>
        %swap3A_151 = vector.shape_cast %add3A_146 : vector<16xf32> to vector<1x16xf32>
        tpu.vector_store %arg9[%swap3A_147, %swap3A_148], %swap3A_151 {strides = array<i32>} : memref<800x64xf32, #tpu.memory_space<vmem>>, vector<1x16xf32>,
        %get3A_152 = arith.index_cast %add3A_137 : i32 to index
        %get3A_153 = arith.constant 16 : index
        %get3A_154 = tpu.vector_load %arg9[%get3A_152, %get3A_153] {strides = array<i32>} : memref<800x64xf32, #tpu.memory_space<vmem>>, vector<1x16xf32>,
        %get3A_155 = vector.shape_cast %get3A_154 : vector<1x16xf32> to vector<16xf32>
        %get3A_156 = arith.index_cast %add3A_79 : i32 to index
        %get3A_157 = arith.constant 16 : index
        %get3A_158 = tpu.vector_load %arg10[%get3A_156, %get3A_157] {strides = array<i32>} : memref<200x64xf32, #tpu.memory_space<vmem>>, vector<1x16xf32>,
        %get3A_159 = vector.shape_cast %get3A_158 : vector<1x16xf32> to vector<16xf32>
        %add3A_160 = arith.addf %get3A_155, %get3A_159 : vector<16xf32>
        %swap3A_161 = arith.index_cast %add3A_137 : i32 to index
        %swap3A_162 = arith.constant 16 : index
        %swap3A_163 = tpu.vector_load %arg9[%swap3A_161, %swap3A_162] {strides = array<i32>} : memref<800x64xf32, #tpu.memory_space<vmem>>, vector<1x16xf32>,
        %swap3A_164 = vector.shape_cast %swap3A_163 : vector<1x16xf32> to vector<16xf32>
        %swap3A_165 = vector.shape_cast %add3A_160 : vector<16xf32> to vector<1x16xf32>
        tpu.vector_store %arg9[%swap3A_161, %swap3A_162], %swap3A_165 {strides = array<i32>} : memref<800x64xf32, #tpu.memory_space<vmem>>, vector<1x16xf32>,
        %get3A_166 = arith.index_cast %add3A_137 : i32 to index
        %get3A_167 = arith.constant 32 : index
        %get3A_168 = tpu.vector_load %arg9[%get3A_166, %get3A_167] {strides = array<i32>} : memref<800x64xf32, #tpu.memory_space<vmem>>, vector<1x16xf32>,
        %get3A_169 = vector.shape_cast %get3A_168 : vector<1x16xf32> to vector<16xf32>
        %get3A_170 = arith.index_cast %add3A_79 : i32 to index
        %get3A_171 = arith.constant 32 : index
        %get3A_172 = tpu.vector_load %arg10[%get3A_170, %get3A_171] {strides = array<i32>} : memref<200x64xf32, #tpu.memory_space<vmem>>, vector<1x16xf32>,
        %get3A_173 = vector.shape_cast %get3A_172 : vector<1x16xf32> to vector<16xf32>
        %add3A_174 = arith.addf %get3A_169, %get3A_173 : vector<16xf32>
        %swap3A_175 = arith.index_cast %add3A_137 : i32 to index
        %swap3A_176 = arith.constant 32 : index
        %swap3A_177 = tpu.vector_load %arg9[%swap3A_175, %swap3A_176] {strides = array<i32>} : memref<800x64xf32, #tpu.memory_space<vmem>>, vector<1x16xf32>,
        %swap3A_178 = vector.shape_cast %swap3A_177 : vector<1x16xf32> to vector<16xf32>
        %swap3A_179 = vector.shape_cast %add3A_174 : vector<16xf32> to vector<1x16xf32>
        tpu.vector_store %arg9[%swap3A_175, %swap3A_176], %swap3A_179 {strides = array<i32>} : memref<800x64xf32, #tpu.memory_space<vmem>>, vector<1x16xf32>,
        %get3A_180 = arith.index_cast %add3A_137 : i32 to index
        %get3A_181 = arith.constant 48 : index
        %get3A_182 = tpu.vector_load %arg9[%get3A_180, %get3A_181] {strides = array<i32>} : memref<800x64xf32, #tpu.memory_space<vmem>>, vector<1x16xf32>,
        %get3A_183 = vector.shape_cast %get3A_182 : vector<1x16xf32> to vector<16xf32>
        %get3A_184 = arith.index_cast %add3A_79 : i32 to index
        %get3A_185 = arith.constant 48 : index
        %get3A_186 = tpu.vector_load %arg10[%get3A_184, %get3A_185] {strides = array<i32>} : memref<200x64xf32, #tpu.memory_space<vmem>>, vector<1x16xf32>,
        %get3A_187 = vector.shape_cast %get3A_186 : vector<1x16xf32> to vector<16xf32>
        %add3A_188 = arith.addf %get3A_183, %get3A_187 : vector<16xf32>
        %swap3A_189 = arith.index_cast %add3A_137 : i32 to index
        %swap3A_190 = arith.constant 48 : index
        %swap3A_191 = tpu.vector_load %arg9[%swap3A_189, %swap3A_190] {strides = array<i32>} : memref<800x64xf32, #tpu.memory_space<vmem>>, vector<1x16xf32>,
        %swap3A_192 = vector.shape_cast %swap3A_191 : vector<1x16xf32> to vector<16xf32>
        %swap3A_193 = vector.shape_cast %add3A_188 : vector<16xf32> to vector<1x16xf32>
        tpu.vector_store %arg9[%swap3A_189, %swap3A_190], %swap3A_193 {strides = array<i32>} : memref<800x64xf32, #tpu.memory_space<vmem>>, vector<1x16xf32>,
        %add3A_194 = arith.constant 400 : i32
        %add3A_195 = arith.addi %add3A_194, %add3A_79 : i32
        %get3A_196 = arith.index_cast %add3A_195 : i32 to index
        %get3A_197 = arith.constant 0 : index
        %get3A_198 = tpu.vector_load %arg9[%get3A_196, %get3A_197] {strides = array<i32>} : memref<800x64xf32, #tpu.memory_space<vmem>>, vector<1x16xf32>,
        %get3A_199 = vector.shape_cast %get3A_198 : vector<1x16xf32> to vector<16xf32>
        %get3A_200 = arith.index_cast %add3A_79 : i32 to index
        %get3A_201 = arith.constant 0 : index
        %get3A_202 = tpu.vector_load %arg10[%get3A_200, %get3A_201] {strides = array<i32>} : memref<200x64xf32, #tpu.memory_space<vmem>>, vector<1x16xf32>,
        %get3A_203 = vector.shape_cast %get3A_202 : vector<1x16xf32> to vector<16xf32>
        %add3A_204 = arith.addf %get3A_199, %get3A_203 : vector<16xf32>
        %swap3A_205 = arith.index_cast %add3A_195 : i32 to index
        %swap3A_206 = arith.constant 0 : index
        %swap3A_207 = tpu.vector_load %arg9[%swap3A_205, %swap3A_206] {strides = array<i32>} : memref<800x64xf32, #tpu.memory_space<vmem>>, vector<1x16xf32>,
        %swap3A_208 = vector.shape_cast %swap3A_207 : vector<1x16xf32> to vector<16xf32>
        %swap3A_209 = vector.shape_cast %add3A_204 : vector<16xf32> to vector<1x16xf32>
        tpu.vector_store %arg9[%swap3A_205, %swap3A_206], %swap3A_209 {strides = array<i32>} : memref<800x64xf32, #tpu.memory_space<vmem>>, vector<1x16xf32>,
        %get3A_210 = arith.index_cast %add3A_195 : i32 to index
        %get3A_211 = arith.constant 16 : index
        %get3A_212 = tpu.vector_load %arg9[%get3A_210, %get3A_211] {strides = array<i32>} : memref<800x64xf32, #tpu.memory_space<vmem>>, vector<1x16xf32>,
        %get3A_213 = vector.shape_cast %get3A_212 : vector<1x16xf32> to vector<16xf32>
        %get3A_214 = arith.index_cast %add3A_79 : i32 to index
        %get3A_215 = arith.constant 16 : index
        %get3A_216 = tpu.vector_load %arg10[%get3A_214, %get3A_215] {strides = array<i32>} : memref<200x64xf32, #tpu.memory_space<vmem>>, vector<1x16xf32>,
        %get3A_217 = vector.shape_cast %get3A_216 : vector<1x16xf32> to vector<16xf32>
        %add3A_218 = arith.addf %get3A_213, %get3A_217 : vector<16xf32>
        %swap3A_219 = arith.index_cast %add3A_195 : i32 to index
        %swap3A_220 = arith.constant 16 : index
        %swap3A_221 = tpu.vector_load %arg9[%swap3A_219, %swap3A_220] {strides = array<i32>} : memref<800x64xf32, #tpu.memory_space<vmem>>, vector<1x16xf32>,
        %swap3A_222 = vector.shape_cast %swap3A_221 : vector<1x16xf32> to vector<16xf32>
        %swap3A_223 = vector.shape_cast %add3A_218 : vector<16xf32> to vector<1x16xf32>
        tpu.vector_store %arg9[%swap3A_219, %swap3A_220], %swap3A_223 {strides = array<i32>} : memref<800x64xf32, #tpu.memory_space<vmem>>, vector<1x16xf32>,
        %get3A_224 = arith.index_cast %add3A_195 : i32 to index
        %get3A_225 = arith.constant 32 : index
        %get3A_226 = tpu.vector_load %arg9[%get3A_224, %get3A_225] {strides = array<i32>} : memref<800x64xf32, #tpu.memory_space<vmem>>, vector<1x16xf32>,
        %get3A_227 = vector.shape_cast %get3A_226 : vector<1x16xf32> to vector<16xf32>
        %get3A_228 = arith.index_cast %add3A_79 : i32 to index
        %get3A_229 = arith.constant 32 : index
        %get3A_230 = tpu.vector_load %arg10[%get3A_228, %get3A_229] {strides = array<i32>} : memref<200x64xf32, #tpu.memory_space<vmem>>, vector<1x16xf32>,
        %get3A_231 = vector.shape_cast %get3A_230 : vector<1x16xf32> to vector<16xf32>
        %add3A_232 = arith.addf %get3A_227, %get3A_231 : vector<16xf32>
        %swap3A_233 = arith.index_cast %add3A_195 : i32 to index
        %swap3A_234 = arith.constant 32 : index
        %swap3A_235 = tpu.vector_load %arg9[%swap3A_233, %swap3A_234] {strides = array<i32>} : memref<800x64xf32, #tpu.memory_space<vmem>>, vector<1x16xf32>,
        %swap3A_236 = vector.shape_cast %swap3A_235 : vector<1x16xf32> to vector<16xf32>
        %swap3A_237 = vector.shape_cast %add3A_232 : vector<16xf32> to vector<1x16xf32>
        tpu.vector_store %arg9[%swap3A_233, %swap3A_234], %swap3A_237 {strides = array<i32>} : memref<800x64xf32, #tpu.memory_space<vmem>>, vector<1x16xf32>,
        %get3A_238 = arith.index_cast %add3A_195 : i32 to index
        %get3A_239 = arith.constant 48 : index
        %get3A_240 = tpu.vector_load %arg9[%get3A_238, %get3A_239] {strides = array<i32>} : memref<800x64xf32, #tpu.memory_space<vmem>>, vector<1x16xf32>,
        %get3A_241 = vector.shape_cast %get3A_240 : vector<1x16xf32> to vector<16xf32>
        %get3A_242 = arith.index_cast %add3A_79 : i32 to index
        %get3A_243 = arith.constant 48 : index
        %get3A_244 = tpu.vector_load %arg10[%get3A_242, %get3A_243] {strides = array<i32>} : memref<200x64xf32, #tpu.memory_space<vmem>>, vector<1x16xf32>,
        %get3A_245 = vector.shape_cast %get3A_244 : vector<1x16xf32> to vector<16xf32>
        %add3A_246 = arith.addf %get3A_241, %get3A_245 : vector<16xf32>
        %swap3A_247 = arith.index_cast %add3A_195 : i32 to index
        %swap3A_248 = arith.constant 48 : index
        %swap3A_249 = tpu.vector_load %arg9[%swap3A_247, %swap3A_248] {strides = array<i32>} : memref<800x64xf32, #tpu.memory_space<vmem>>, vector<1x16xf32>,
        %swap3A_250 = vector.shape_cast %swap3A_249 : vector<1x16xf32> to vector<16xf32>
        %swap3A_251 = vector.shape_cast %add3A_246 : vector<16xf32> to vector<1x16xf32>
        tpu.vector_store %arg9[%swap3A_247, %swap3A_248], %swap3A_251 {strides = array<i32>} : memref<800x64xf32, #tpu.memory_space<vmem>>, vector<1x16xf32>,
        %add3A_252 = arith.constant 600 : i32
        %add3A_253 = arith.addi %add3A_252, %add3A_79 : i32
        %get3A_254 = arith.index_cast %add3A_253 : i32 to index
        %get3A_255 = arith.constant 0 : index
        %get3A_256 = tpu.vector_load %arg9[%get3A_254, %get3A_255] {strides = array<i32>} : memref<800x64xf32, #tpu.memory_space<vmem>>, vector<1x16xf32>,
        %get3A_257 = vector.shape_cast %get3A_256 : vector<1x16xf32> to vector<16xf32>
        %get3A_258 = arith.index_cast %add3A_79 : i32 to index
        %get3A_259 = arith.constant 0 : index
        %get3A_260 = tpu.vector_load %arg10[%get3A_258, %get3A_259] {strides = array<i32>} : memref<200x64xf32, #tpu.memory_space<vmem>>, vector<1x16xf32>,
        %get3A_261 = vector.shape_cast %get3A_260 : vector<1x16xf32> to vector<16xf32>
        %add3A_262 = arith.addf %get3A_257, %get3A_261 : vector<16xf32>
        %swap3A_263 = arith.index_cast %add3A_253 : i32 to index
        %swap3A_264 = arith.constant 0 : index
        %swap3A_265 = tpu.vector_load %arg9[%swap3A_263, %swap3A_264] {strides = array<i32>} : memref<800x64xf32, #tpu.memory_space<vmem>>, vector<1x16xf32>,
        %swap3A_266 = vector.shape_cast %swap3A_265 : vector<1x16xf32> to vector<16xf32>
        %swap3A_267 = vector.shape_cast %add3A_262 : vector<16xf32> to vector<1x16xf32>
        tpu.vector_store %arg9[%swap3A_263, %swap3A_264], %swap3A_267 {strides = array<i32>} : memref<800x64xf32, #tpu.memory_space<vmem>>, vector<1x16xf32>,
        %get3A_268 = arith.index_cast %add3A_253 : i32 to index
        %get3A_269 = arith.constant 16 : index
        %get3A_270 = tpu.vector_load %arg9[%get3A_268, %get3A_269] {strides = array<i32>} : memref<800x64xf32, #tpu.memory_space<vmem>>, vector<1x16xf32>,
        %get3A_271 = vector.shape_cast %get3A_270 : vector<1x16xf32> to vector<16xf32>
        %get3A_272 = arith.index_cast %add3A_79 : i32 to index
        %get3A_273 = arith.constant 16 : index
        %get3A_274 = tpu.vector_load %arg10[%get3A_272, %get3A_273] {strides = array<i32>} : memref<200x64xf32, #tpu.memory_space<vmem>>, vector<1x16xf32>,
        %get3A_275 = vector.shape_cast %get3A_274 : vector<1x16xf32> to vector<16xf32>
        %add3A_276 = arith.addf %get3A_271, %get3A_275 : vector<16xf32>
        %swap3A_277 = arith.index_cast %add3A_253 : i32 to index
        %swap3A_278 = arith.constant 16 : index
        %swap3A_279 = tpu.vector_load %arg9[%swap3A_277, %swap3A_278] {strides = array<i32>} : memref<800x64xf32, #tpu.memory_space<vmem>>, vector<1x16xf32>,
        %swap3A_280 = vector.shape_cast %swap3A_279 : vector<1x16xf32> to vector<16xf32>
        %swap3A_281 = vector.shape_cast %add3A_276 : vector<16xf32> to vector<1x16xf32>
        tpu.vector_store %arg9[%swap3A_277, %swap3A_278], %swap3A_281 {strides = array<i32>} : memref<800x64xf32, #tpu.memory_space<vmem>>, vector<1x16xf32>,
        %get3A_282 = arith.index_cast %add3A_253 : i32 to index
        %get3A_283 = arith.constant 32 : index
        %get3A_284 = tpu.vector_load %arg9[%get3A_282, %get3A_283] {strides = array<i32>} : memref<800x64xf32, #tpu.memory_space<vmem>>, vector<1x16xf32>,
        %get3A_285 = vector.shape_cast %get3A_284 : vector<1x16xf32> to vector<16xf32>
        %get3A_286 = arith.index_cast %add3A_79 : i32 to index
        %get3A_287 = arith.constant 32 : index
        %get3A_288 = tpu.vector_load %arg10[%get3A_286, %get3A_287] {strides = array<i32>} : memref<200x64xf32, #tpu.memory_space<vmem>>, vector<1x16xf32>,
        %get3A_289 = vector.shape_cast %get3A_288 : vector<1x16xf32> to vector<16xf32>
        %add3A_290 = arith.addf %get3A_285, %get3A_289 : vector<16xf32>
        %swap3A_291 = arith.index_cast %add3A_253 : i32 to index
        %swap3A_292 = arith.constant 32 : index
        %swap3A_293 = tpu.vector_load %arg9[%swap3A_291, %swap3A_292] {strides = array<i32>} : memref<800x64xf32, #tpu.memory_space<vmem>>, vector<1x16xf32>,
        %swap3A_294 = vector.shape_cast %swap3A_293 : vector<1x16xf32> to vector<16xf32>
        %swap3A_295 = vector.shape_cast %add3A_290 : vector<16xf32> to vector<1x16xf32>
        tpu.vector_store %arg9[%swap3A_291, %swap3A_292], %swap3A_295 {strides = array<i32>} : memref<800x64xf32, #tpu.memory_space<vmem>>, vector<1x16xf32>,
        %get3A_296 = arith.index_cast %add3A_253 : i32 to index
        %get3A_297 = arith.constant 48 : index
        %get3A_298 = tpu.vector_load %arg9[%get3A_296, %get3A_297] {strides = array<i32>} : memref<800x64xf32, #tpu.memory_space<vmem>>, vector<1x16xf32>,
        %get3A_299 = vector.shape_cast %get3A_298 : vector<1x16xf32> to vector<16xf32>
        %get3A_300 = arith.index_cast %add3A_79 : i32 to index
        %get3A_301 = arith.constant 48 : index
        %get3A_302 = tpu.vector_load %arg10[%get3A_300, %get3A_301] {strides = array<i32>} : memref<200x64xf32, #tpu.memory_space<vmem>>, vector<1x16xf32>,
        %get3A_303 = vector.shape_cast %get3A_302 : vector<1x16xf32> to vector<16xf32>
        %add3A_304 = arith.addf %get3A_299, %get3A_303 : vector<16xf32>
        %swap3A_305 = arith.index_cast %add3A_253 : i32 to index
        %swap3A_306 = arith.constant 48 : index
        %swap3A_307 = tpu.vector_load %arg9[%swap3A_305, %swap3A_306] {strides = array<i32>} : memref<800x64xf32, #tpu.memory_space<vmem>>, vector<1x16xf32>,
        %swap3A_308 = vector.shape_cast %swap3A_307 : vector<1x16xf32> to vector<16xf32>
        %swap3A_309 = vector.shape_cast %add3A_304 : vector<16xf32> to vector<1x16xf32>
        tpu.vector_store %arg9[%swap3A_305, %swap3A_306], %swap3A_309 {strides = array<i32>} : memref<800x64xf32, #tpu.memory_space<vmem>>, vector<1x16xf32>,
        %mul3A_310 = arith.constant 2 : i32
        %mul3A_311 = arith.muli %scan3A_75, %mul3A_310 : i32
        %add3A_312 = arith.constant 1 : i32
        %add3A_313 = arith.addi %mul3A_311, %add3A_312 : i32
        %add3A_314 = arith.constant 0 : i32
        %add3A_315 = arith.addi %add3A_314, %add3A_313 : i32
        %get3A_316 = arith.index_cast %add3A_315 : i32 to index
        %get3A_317 = arith.constant 0 : index
        %get3A_318 = tpu.vector_load %arg9[%get3A_316, %get3A_317] {strides = array<i32>} : memref<800x64xf32, #tpu.memory_space<vmem>>, vector<1x16xf32>,
        %get3A_319 = vector.shape_cast %get3A_318 : vector<1x16xf32> to vector<16xf32>
        %get3A_320 = arith.index_cast %add3A_313 : i32 to index
        %get3A_321 = arith.constant 0 : index
        %get3A_322 = tpu.vector_load %arg10[%get3A_320, %get3A_321] {strides = array<i32>} : memref<200x64xf32, #tpu.memory_space<vmem>>, vector<1x16xf32>,
        %get3A_323 = vector.shape_cast %get3A_322 : vector<1x16xf32> to vector<16xf32>
        %add3A_324 = arith.addf %get3A_319, %get3A_323 : vector<16xf32>
        %swap3A_325 = arith.index_cast %add3A_315 : i32 to index
        %swap3A_326 = arith.constant 0 : index
        %swap3A_327 = tpu.vector_load %arg9[%swap3A_325, %swap3A_326] {strides = array<i32>} : memref<800x64xf32, #tpu.memory_space<vmem>>, vector<1x16xf32>,
        %swap3A_328 = vector.shape_cast %swap3A_327 : vector<1x16xf32> to vector<16xf32>
        %swap3A_329 = vector.shape_cast %add3A_324 : vector<16xf32> to vector<1x16xf32>
        tpu.vector_store %arg9[%swap3A_325, %swap3A_326], %swap3A_329 {strides = array<i32>} : memref<800x64xf32, #tpu.memory_space<vmem>>, vector<1x16xf32>,
        %get3A_330 = arith.index_cast %add3A_315 : i32 to index
        %get3A_331 = arith.constant 16 : index
        %get3A_332 = tpu.vector_load %arg9[%get3A_330, %get3A_331] {strides = array<i32>} : memref<800x64xf32, #tpu.memory_space<vmem>>, vector<1x16xf32>,
        %get3A_333 = vector.shape_cast %get3A_332 : vector<1x16xf32> to vector<16xf32>
        %get3A_334 = arith.index_cast %add3A_313 : i32 to index
        %get3A_335 = arith.constant 16 : index
        %get3A_336 = tpu.vector_load %arg10[%get3A_334, %get3A_335] {strides = array<i32>} : memref<200x64xf32, #tpu.memory_space<vmem>>, vector<1x16xf32>,
        %get3A_337 = vector.shape_cast %get3A_336 : vector<1x16xf32> to vector<16xf32>
        %add3A_338 = arith.addf %get3A_333, %get3A_337 : vector<16xf32>
        %swap3A_339 = arith.index_cast %add3A_315 : i32 to index
        %swap3A_340 = arith.constant 16 : index
        %swap3A_341 = tpu.vector_load %arg9[%swap3A_339, %swap3A_340] {strides = array<i32>} : memref<800x64xf32, #tpu.memory_space<vmem>>, vector<1x16xf32>,
        %swap3A_342 = vector.shape_cast %swap3A_341 : vector<1x16xf32> to vector<16xf32>
        %swap3A_343 = vector.shape_cast %add3A_338 : vector<16xf32> to vector<1x16xf32>
        tpu.vector_store %arg9[%swap3A_339, %swap3A_340], %swap3A_343 {strides = array<i32>} : memref<800x64xf32, #tpu.memory_space<vmem>>, vector<1x16xf32>,
        %get3A_344 = arith.index_cast %add3A_315 : i32 to index
        %get3A_345 = arith.constant 32 : index
        %get3A_346 = tpu.vector_load %arg9[%get3A_344, %get3A_345] {strides = array<i32>} : memref<800x64xf32, #tpu.memory_space<vmem>>, vector<1x16xf32>,
        %get3A_347 = vector.shape_cast %get3A_346 : vector<1x16xf32> to vector<16xf32>
        %get3A_348 = arith.index_cast %add3A_313 : i32 to index
        %get3A_349 = arith.constant 32 : index
        %get3A_350 = tpu.vector_load %arg10[%get3A_348, %get3A_349] {strides = array<i32>} : memref<200x64xf32, #tpu.memory_space<vmem>>, vector<1x16xf32>,
        %get3A_351 = vector.shape_cast %get3A_350 : vector<1x16xf32> to vector<16xf32>
        %add3A_352 = arith.addf %get3A_347, %get3A_351 : vector<16xf32>
        %swap3A_353 = arith.index_cast %add3A_315 : i32 to index
        %swap3A_354 = arith.constant 32 : index
        %swap3A_355 = tpu.vector_load %arg9[%swap3A_353, %swap3A_354] {strides = array<i32>} : memref<800x64xf32, #tpu.memory_space<vmem>>, vector<1x16xf32>,
        %swap3A_356 = vector.shape_cast %swap3A_355 : vector<1x16xf32> to vector<16xf32>
        %swap3A_357 = vector.shape_cast %add3A_352 : vector<16xf32> to vector<1x16xf32>
        tpu.vector_store %arg9[%swap3A_353, %swap3A_354], %swap3A_357 {strides = array<i32>} : memref<800x64xf32, #tpu.memory_space<vmem>>, vector<1x16xf32>,
        %get3A_358 = arith.index_cast %add3A_315 : i32 to index
        %get3A_359 = arith.constant 48 : index
        %get3A_360 = tpu.vector_load %arg9[%get3A_358, %get3A_359] {strides = array<i32>} : memref<800x64xf32, #tpu.memory_space<vmem>>, vector<1x16xf32>,
        %get3A_361 = vector.shape_cast %get3A_360 : vector<1x16xf32> to vector<16xf32>
        %get3A_362 = arith.index_cast %add3A_313 : i32 to index
        %get3A_363 = arith.constant 48 : index
        %get3A_364 = tpu.vector_load %arg10[%get3A_362, %get3A_363] {strides = array<i32>} : memref<200x64xf32, #tpu.memory_space<vmem>>, vector<1x16xf32>,
        %get3A_365 = vector.shape_cast %get3A_364 : vector<1x16xf32> to vector<16xf32>
        %add3A_366 = arith.addf %get3A_361, %get3A_365 : vector<16xf32>
        %swap3A_367 = arith.index_cast %add3A_315 : i32 to index
        %swap3A_368 = arith.constant 48 : index
        %swap3A_369 = tpu.vector_load %arg9[%swap3A_367, %swap3A_368] {strides = array<i32>} : memref<800x64xf32, #tpu.memory_space<vmem>>, vector<1x16xf32>,
        %swap3A_370 = vector.shape_cast %swap3A_369 : vector<1x16xf32> to vector<16xf32>
        %swap3A_371 = vector.shape_cast %add3A_366 : vector<16xf32> to vector<1x16xf32>
        tpu.vector_store %arg9[%swap3A_367, %swap3A_368], %swap3A_371 {strides = array<i32>} : memref<800x64xf32, #tpu.memory_space<vmem>>, vector<1x16xf32>,
        %add3A_372 = arith.constant 200 : i32
        %add3A_373 = arith.addi %add3A_372, %add3A_313 : i32
        %get3A_374 = arith.index_cast %add3A_373 : i32 to index
        %get3A_375 = arith.constant 0 : index
        %get3A_376 = tpu.vector_load %arg9[%get3A_374, %get3A_375] {strides = array<i32>} : memref<800x64xf32, #tpu.memory_space<vmem>>, vector<1x16xf32>,
        %get3A_377 = vector.shape_cast %get3A_376 : vector<1x16xf32> to vector<16xf32>
        %get3A_378 = arith.index_cast %add3A_313 : i32 to index
        %get3A_379 = arith.constant 0 : index
        %get3A_380 = tpu.vector_load %arg10[%get3A_378, %get3A_379] {strides = array<i32>} : memref<200x64xf32, #tpu.memory_space<vmem>>, vector<1x16xf32>,
        %get3A_381 = vector.shape_cast %get3A_380 : vector<1x16xf32> to vector<16xf32>
        %add3A_382 = arith.addf %get3A_377, %get3A_381 : vector<16xf32>
        %swap3A_383 = arith.index_cast %add3A_373 : i32 to index
        %swap3A_384 = arith.constant 0 : index
        %swap3A_385 = tpu.vector_load %arg9[%swap3A_383, %swap3A_384] {strides = array<i32>} : memref<800x64xf32, #tpu.memory_space<vmem>>, vector<1x16xf32>,
        %swap3A_386 = vector.shape_cast %swap3A_385 : vector<1x16xf32> to vector<16xf32>
        %swap3A_387 = vector.shape_cast %add3A_382 : vector<16xf32> to vector<1x16xf32>
        tpu.vector_store %arg9[%swap3A_383, %swap3A_384], %swap3A_387 {strides = array<i32>} : memref<800x64xf32, #tpu.memory_space<vmem>>, vector<1x16xf32>,
        %get3A_388 = arith.index_cast %add3A_373 : i32 to index
        %get3A_389 = arith.constant 16 : index
        %get3A_390 = tpu.vector_load %arg9[%get3A_388, %get3A_389] {strides = array<i32>} : memref<800x64xf32, #tpu.memory_space<vmem>>, vector<1x16xf32>,
        %get3A_391 = vector.shape_cast %get3A_390 : vector<1x16xf32> to vector<16xf32>
        %get3A_392 = arith.index_cast %add3A_313 : i32 to index
        %get3A_393 = arith.constant 16 : index
        %get3A_394 = tpu.vector_load %arg10[%get3A_392, %get3A_393] {strides = array<i32>} : memref<200x64xf32, #tpu.memory_space<vmem>>, vector<1x16xf32>,
        %get3A_395 = vector.shape_cast %get3A_394 : vector<1x16xf32> to vector<16xf32>
        %add3A_396 = arith.addf %get3A_391, %get3A_395 : vector<16xf32>
        %swap3A_397 = arith.index_cast %add3A_373 : i32 to index
        %swap3A_398 = arith.constant 16 : index
        %swap3A_399 = tpu.vector_load %arg9[%swap3A_397, %swap3A_398] {strides = array<i32>} : memref<800x64xf32, #tpu.memory_space<vmem>>, vector<1x16xf32>,
        %swap3A_400 = vector.shape_cast %swap3A_399 : vector<1x16xf32> to vector<16xf32>
        %swap3A_401 = vector.shape_cast %add3A_396 : vector<16xf32> to vector<1x16xf32>
        tpu.vector_store %arg9[%swap3A_397, %swap3A_398], %swap3A_401 {strides = array<i32>} : memref<800x64xf32, #tpu.memory_space<vmem>>, vector<1x16xf32>,
        %get3A_402 = arith.index_cast %add3A_373 : i32 to index
        %get3A_403 = arith.constant 32 : index
        %get3A_404 = tpu.vector_load %arg9[%get3A_402, %get3A_403] {strides = array<i32>} : memref<800x64xf32, #tpu.memory_space<vmem>>, vector<1x16xf32>,
        %get3A_405 = vector.shape_cast %get3A_404 : vector<1x16xf32> to vector<16xf32>
        %get3A_406 = arith.index_cast %add3A_313 : i32 to index
        %get3A_407 = arith.constant 32 : index
        %get3A_408 = tpu.vector_load %arg10[%get3A_406, %get3A_407] {strides = array<i32>} : memref<200x64xf32, #tpu.memory_space<vmem>>, vector<1x16xf32>,
        %get3A_409 = vector.shape_cast %get3A_408 : vector<1x16xf32> to vector<16xf32>
        %add3A_410 = arith.addf %get3A_405, %get3A_409 : vector<16xf32>
        %swap3A_411 = arith.index_cast %add3A_373 : i32 to index
        %swap3A_412 = arith.constant 32 : index
        %swap3A_413 = tpu.vector_load %arg9[%swap3A_411, %swap3A_412] {strides = array<i32>} : memref<800x64xf32, #tpu.memory_space<vmem>>, vector<1x16xf32>,
        %swap3A_414 = vector.shape_cast %swap3A_413 : vector<1x16xf32> to vector<16xf32>
        %swap3A_415 = vector.shape_cast %add3A_410 : vector<16xf32> to vector<1x16xf32>
        tpu.vector_store %arg9[%swap3A_411, %swap3A_412], %swap3A_415 {strides = array<i32>} : memref<800x64xf32, #tpu.memory_space<vmem>>, vector<1x16xf32>,
        %get3A_416 = arith.index_cast %add3A_373 : i32 to index
        %get3A_417 = arith.constant 48 : index
        %get3A_418 = tpu.vector_load %arg9[%get3A_416, %get3A_417] {strides = array<i32>} : memref<800x64xf32, #tpu.memory_space<vmem>>, vector<1x16xf32>,
        %get3A_419 = vector.shape_cast %get3A_418 : vector<1x16xf32> to vector<16xf32>
        %get3A_420 = arith.index_cast %add3A_313 : i32 to index
        %get3A_421 = arith.constant 48 : index
        %get3A_422 = tpu.vector_load %arg10[%get3A_420, %get3A_421] {strides = array<i32>} : memref<200x64xf32, #tpu.memory_space<vmem>>, vector<1x16xf32>,
        %get3A_423 = vector.shape_cast %get3A_422 : vector<1x16xf32> to vector<16xf32>
        %add3A_424 = arith.addf %get3A_419, %get3A_423 : vector<16xf32>
        %swap3A_425 = arith.index_cast %add3A_373 : i32 to index
        %swap3A_426 = arith.constant 48 : index
        %swap3A_427 = tpu.vector_load %arg9[%swap3A_425, %swap3A_426] {strides = array<i32>} : memref<800x64xf32, #tpu.memory_space<vmem>>, vector<1x16xf32>,
        %swap3A_428 = vector.shape_cast %swap3A_427 : vector<1x16xf32> to vector<16xf32>
        %swap3A_429 = vector.shape_cast %add3A_424 : vector<16xf32> to vector<1x16xf32>
        tpu.vector_store %arg9[%swap3A_425, %swap3A_426], %swap3A_429 {strides = array<i32>} : memref<800x64xf32, #tpu.memory_space<vmem>>, vector<1x16xf32>,
        %add3A_430 = arith.constant 400 : i32
        %add3A_431 = arith.addi %add3A_430, %add3A_313 : i32
        %get3A_432 = arith.index_cast %add3A_431 : i32 to index
        %get3A_433 = arith.constant 0 : index
        %get3A_434 = tpu.vector_load %arg9[%get3A_432, %get3A_433] {strides = array<i32>} : memref<800x64xf32, #tpu.memory_space<vmem>>, vector<1x16xf32>,
        %get3A_435 = vector.shape_cast %get3A_434 : vector<1x16xf32> to vector<16xf32>
        %get3A_436 = arith.index_cast %add3A_313 : i32 to index
        %get3A_437 = arith.constant 0 : index
        %get3A_438 = tpu.vector_load %arg10[%get3A_436, %get3A_437] {strides = array<i32>} : memref<200x64xf32, #tpu.memory_space<vmem>>, vector<1x16xf32>,
        %get3A_439 = vector.shape_cast %get3A_438 : vector<1x16xf32> to vector<16xf32>
        %add3A_440 = arith.addf %get3A_435, %get3A_439 : vector<16xf32>
        %swap3A_441 = arith.index_cast %add3A_431 : i32 to index
        %swap3A_442 = arith.constant 0 : index
        %swap3A_443 = tpu.vector_load %arg9[%swap3A_441, %swap3A_442] {strides = array<i32>} : memref<800x64xf32, #tpu.memory_space<vmem>>, vector<1x16xf32>,
        %swap3A_444 = vector.shape_cast %swap3A_443 : vector<1x16xf32> to vector<16xf32>
        %swap3A_445 = vector.shape_cast %add3A_440 : vector<16xf32> to vector<1x16xf32>
        tpu.vector_store %arg9[%swap3A_441, %swap3A_442], %swap3A_445 {strides = array<i32>} : memref<800x64xf32, #tpu.memory_space<vmem>>, vector<1x16xf32>,
        %get3A_446 = arith.index_cast %add3A_431 : i32 to index
        %get3A_447 = arith.constant 16 : index
        %get3A_448 = tpu.vector_load %arg9[%get3A_446, %get3A_447] {strides = array<i32>} : memref<800x64xf32, #tpu.memory_space<vmem>>, vector<1x16xf32>,
        %get3A_449 = vector.shape_cast %get3A_448 : vector<1x16xf32> to vector<16xf32>
        %get3A_450 = arith.index_cast %add3A_313 : i32 to index
        %get3A_451 = arith.constant 16 : index
        %get3A_452 = tpu.vector_load %arg10[%get3A_450, %get3A_451] {strides = array<i32>} : memref<200x64xf32, #tpu.memory_space<vmem>>, vector<1x16xf32>,
        %get3A_453 = vector.shape_cast %get3A_452 : vector<1x16xf32> to vector<16xf32>
        %add3A_454 = arith.addf %get3A_449, %get3A_453 : vector<16xf32>
        %swap3A_455 = arith.index_cast %add3A_431 : i32 to index
        %swap3A_456 = arith.constant 16 : index
        %swap3A_457 = tpu.vector_load %arg9[%swap3A_455, %swap3A_456] {strides = array<i32>} : memref<800x64xf32, #tpu.memory_space<vmem>>, vector<1x16xf32>,
        %swap3A_458 = vector.shape_cast %swap3A_457 : vector<1x16xf32> to vector<16xf32>
        %swap3A_459 = vector.shape_cast %add3A_454 : vector<16xf32> to vector<1x16xf32>
        tpu.vector_store %arg9[%swap3A_455, %swap3A_456], %swap3A_459 {strides = array<i32>} : memref<800x64xf32, #tpu.memory_space<vmem>>, vector<1x16xf32>,
        %get3A_460 = arith.index_cast %add3A_431 : i32 to index
        %get3A_461 = arith.constant 32 : index
        %get3A_462 = tpu.vector_load %arg9[%get3A_460, %get3A_461] {strides = array<i32>} : memref<800x64xf32, #tpu.memory_space<vmem>>, vector<1x16xf32>,
        %get3A_463 = vector.shape_cast %get3A_462 : vector<1x16xf32> to vector<16xf32>
        %get3A_464 = arith.index_cast %add3A_313 : i32 to index
        %get3A_465 = arith.constant 32 : index
        %get3A_466 = tpu.vector_load %arg10[%get3A_464, %get3A_465] {strides = array<i32>} : memref<200x64xf32, #tpu.memory_space<vmem>>, vector<1x16xf32>,
        %get3A_467 = vector.shape_cast %get3A_466 : vector<1x16xf32> to vector<16xf32>
        %add3A_468 = arith.addf %get3A_463, %get3A_467 : vector<16xf32>
        %swap3A_469 = arith.index_cast %add3A_431 : i32 to index
        %swap3A_470 = arith.constant 32 : index
        %swap3A_471 = tpu.vector_load %arg9[%swap3A_469, %swap3A_470] {strides = array<i32>} : memref<800x64xf32, #tpu.memory_space<vmem>>, vector<1x16xf32>,
        %swap3A_472 = vector.shape_cast %swap3A_471 : vector<1x16xf32> to vector<16xf32>
        %swap3A_473 = vector.shape_cast %add3A_468 : vector<16xf32> to vector<1x16xf32>
        tpu.vector_store %arg9[%swap3A_469, %swap3A_470], %swap3A_473 {strides = array<i32>} : memref<800x64xf32, #tpu.memory_space<vmem>>, vector<1x16xf32>,
        %get3A_474 = arith.index_cast %add3A_431 : i32 to index
        %get3A_475 = arith.constant 48 : index
        %get3A_476 = tpu.vector_load %arg9[%get3A_474, %get3A_475] {strides = array<i32>} : memref<800x64xf32, #tpu.memory_space<vmem>>, vector<1x16xf32>,
        %get3A_477 = vector.shape_cast %get3A_476 : vector<1x16xf32> to vector<16xf32>
        %get3A_478 = arith.index_cast %add3A_313 : i32 to index
        %get3A_479 = arith.constant 48 : index
        %get3A_480 = tpu.vector_load %arg10[%get3A_478, %get3A_479] {strides = array<i32>} : memref<200x64xf32, #tpu.memory_space<vmem>>, vector<1x16xf32>,
        %get3A_481 = vector.shape_cast %get3A_480 : vector<1x16xf32> to vector<16xf32>
        %add3A_482 = arith.addf %get3A_477, %get3A_481 : vector<16xf32>
        %swap3A_483 = arith.index_cast %add3A_431 : i32 to index
        %swap3A_484 = arith.constant 48 : index
        %swap3A_485 = tpu.vector_load %arg9[%swap3A_483, %swap3A_484] {strides = array<i32>} : memref<800x64xf32, #tpu.memory_space<vmem>>, vector<1x16xf32>,
        %swap3A_486 = vector.shape_cast %swap3A_485 : vector<1x16xf32> to vector<16xf32>
        %swap3A_487 = vector.shape_cast %add3A_482 : vector<16xf32> to vector<1x16xf32>
        tpu.vector_store %arg9[%swap3A_483, %swap3A_484], %swap3A_487 {strides = array<i32>} : memref<800x64xf32, #tpu.memory_space<vmem>>, vector<1x16xf32>,
        %add3A_488 = arith.constant 600 : i32
        %add3A_489 = arith.addi %add3A_488, %add3A_313 : i32
        %get3A_490 = arith.index_cast %add3A_489 : i32 to index
        %get3A_491 = arith.constant 0 : index
        %get3A_492 = tpu.vector_load %arg9[%get3A_490, %get3A_491] {strides = array<i32>} : memref<800x64xf32, #tpu.memory_space<vmem>>, vector<1x16xf32>,
        %get3A_493 = vector.shape_cast %get3A_492 : vector<1x16xf32> to vector<16xf32>
        %get3A_494 = arith.index_cast %add3A_313 : i32 to index
        %get3A_495 = arith.constant 0 : index
        %get3A_496 = tpu.vector_load %arg10[%get3A_494, %get3A_495] {strides = array<i32>} : memref<200x64xf32, #tpu.memory_space<vmem>>, vector<1x16xf32>,
        %get3A_497 = vector.shape_cast %get3A_496 : vector<1x16xf32> to vector<16xf32>
        %add3A_498 = arith.addf %get3A_493, %get3A_497 : vector<16xf32>
        %swap3A_499 = arith.index_cast %add3A_489 : i32 to index
        %swap3A_500 = arith.constant 0 : index
        %swap3A_501 = tpu.vector_load %arg9[%swap3A_499, %swap3A_500] {strides = array<i32>} : memref<800x64xf32, #tpu.memory_space<vmem>>, vector<1x16xf32>,
        %swap3A_502 = vector.shape_cast %swap3A_501 : vector<1x16xf32> to vector<16xf32>
        %swap3A_503 = vector.shape_cast %add3A_498 : vector<16xf32> to vector<1x16xf32>
        tpu.vector_store %arg9[%swap3A_499, %swap3A_500], %swap3A_503 {strides = array<i32>} : memref<800x64xf32, #tpu.memory_space<vmem>>, vector<1x16xf32>,
        %get3A_504 = arith.index_cast %add3A_489 : i32 to index
        %get3A_505 = arith.constant 16 : index
        %get3A_506 = tpu.vector_load %arg9[%get3A_504, %get3A_505] {strides = array<i32>} : memref<800x64xf32, #tpu.memory_space<vmem>>, vector<1x16xf32>,
        %get3A_507 = vector.shape_cast %get3A_506 : vector<1x16xf32> to vector<16xf32>
        %get3A_508 = arith.index_cast %add3A_313 : i32 to index
        %get3A_509 = arith.constant 16 : index
        %get3A_510 = tpu.vector_load %arg10[%get3A_508, %get3A_509] {strides = array<i32>} : memref<200x64xf32, #tpu.memory_space<vmem>>, vector<1x16xf32>,
        %get3A_511 = vector.shape_cast %get3A_510 : vector<1x16xf32> to vector<16xf32>
        %add3A_512 = arith.addf %get3A_507, %get3A_511 : vector<16xf32>
        %swap3A_513 = arith.index_cast %add3A_489 : i32 to index
        %swap3A_514 = arith.constant 16 : index
        %swap3A_515 = tpu.vector_load %arg9[%swap3A_513, %swap3A_514] {strides = array<i32>} : memref<800x64xf32, #tpu.memory_space<vmem>>, vector<1x16xf32>,
        %swap3A_516 = vector.shape_cast %swap3A_515 : vector<1x16xf32> to vector<16xf32>
        %swap3A_517 = vector.shape_cast %add3A_512 : vector<16xf32> to vector<1x16xf32>
        tpu.vector_store %arg9[%swap3A_513, %swap3A_514], %swap3A_517 {strides = array<i32>} : memref<800x64xf32, #tpu.memory_space<vmem>>, vector<1x16xf32>,
        %get3A_518 = arith.index_cast %add3A_489 : i32 to index
        %get3A_519 = arith.constant 32 : index
        %get3A_520 = tpu.vector_load %arg9[%get3A_518, %get3A_519] {strides = array<i32>} : memref<800x64xf32, #tpu.memory_space<vmem>>, vector<1x16xf32>,
        %get3A_521 = vector.shape_cast %get3A_520 : vector<1x16xf32> to vector<16xf32>
        %get3A_522 = arith.index_cast %add3A_313 : i32 to index
        %get3A_523 = arith.constant 32 : index
        %get3A_524 = tpu.vector_load %arg10[%get3A_522, %get3A_523] {strides = array<i32>} : memref<200x64xf32, #tpu.memory_space<vmem>>, vector<1x16xf32>,
        %get3A_525 = vector.shape_cast %get3A_524 : vector<1x16xf32> to vector<16xf32>
        %add3A_526 = arith.addf %get3A_521, %get3A_525 : vector<16xf32>
        %swap3A_527 = arith.index_cast %add3A_489 : i32 to index
        %swap3A_528 = arith.constant 32 : index
        %swap3A_529 = tpu.vector_load %arg9[%swap3A_527, %swap3A_528] {strides = array<i32>} : memref<800x64xf32, #tpu.memory_space<vmem>>, vector<1x16xf32>,
        %swap3A_530 = vector.shape_cast %swap3A_529 : vector<1x16xf32> to vector<16xf32>
        %swap3A_531 = vector.shape_cast %add3A_526 : vector<16xf32> to vector<1x16xf32>
        tpu.vector_store %arg9[%swap3A_527, %swap3A_528], %swap3A_531 {strides = array<i32>} : memref<800x64xf32, #tpu.memory_space<vmem>>, vector<1x16xf32>,
        %get3A_532 = arith.index_cast %add3A_489 : i32 to index
        %get3A_533 = arith.constant 48 : index
        %get3A_534 = tpu.vector_load %arg9[%get3A_532, %get3A_533] {strides = array<i32>} : memref<800x64xf32, #tpu.memory_space<vmem>>, vector<1x16xf32>,
        %get3A_535 = vector.shape_cast %get3A_534 : vector<1x16xf32> to vector<16xf32>
        %get3A_536 = arith.index_cast %add3A_313 : i32 to index
        %get3A_537 = arith.constant 48 : index
        %get3A_538 = tpu.vector_load %arg10[%get3A_536, %get3A_537] {strides = array<i32>} : memref<200x64xf32, #tpu.memory_space<vmem>>, vector<1x16xf32>,
        %get3A_539 = vector.shape_cast %get3A_538 : vector<1x16xf32> to vector<16xf32>
        %add3A_540 = arith.addf %get3A_535, %get3A_539 : vector<16xf32>
        %swap3A_541 = arith.index_cast %add3A_489 : i32 to index
        %swap3A_542 = arith.constant 48 : index
        %swap3A_543 = tpu.vector_load %arg9[%swap3A_541, %swap3A_542] {strides = array<i32>} : memref<800x64xf32, #tpu.memory_space<vmem>>, vector<1x16xf32>,
        %swap3A_544 = vector.shape_cast %swap3A_543 : vector<1x16xf32> to vector<16xf32>
        %swap3A_545 = vector.shape_cast %add3A_540 : vector<16xf32> to vector<1x16xf32>
        tpu.vector_store %arg9[%swap3A_541, %swap3A_542], %swap3A_545 {strides = array<i32>} : memref<800x64xf32, #tpu.memory_space<vmem>>, vector<1x16xf32>,
      }
      %scan3A_67 = arith.constant 100 : i32
      %mul3A_68 = arith.constant 800 : i32
      %mul3A_69 = arith.muli %add3A_51, %mul3A_68 : i32
      %add3A_70 = arith.addi %mul3A_2, %mul3A_69 : i32
      %dma_start3A_71 = arith.constant 0 : i32
      %dma_start3A_72 = tpu.memref_slice %arg5[%add3A_70, %dma_start3A_71] : memref<819200x64xf32, #tpu.memory_space<hbm>> -> memref<800x64xf32, #tpu.memory_space<hbm>>
      %dma_start3A_73 = arith.constant 0 : i32
      %dma_start3A_74 = tpu.memref_slice %arg5[%add3A_70, %dma_start3A_73] : memref<819200x64xf32, #tpu.memory_space<hbm>> -> memref<800x64xf32, #tpu.memory_space<hbm>>
      tpu.enqueue_dma source(%arg9 : memref<800x64xf32, #tpu.memory_space<vmem>>) target(%dma_start3A_74 : memref<800x64xf32, #tpu.memory_space<hbm>>) target_semaphore(%arg14 : memref<!tpu.dma_semaphore, #tpu.memory_space<semaphore_mem>>)
    }
    %scan3A_11 = arith.constant 16 : i32
    %add3A_12 = arith.constant 24000 : i32
    %add3A_13 = arith.addi %mul3A_2, %add3A_12 : i32
    %dma_wait3A = arith.constant 0 : i32
    %dma_wait3A_14 = tpu.memref_slice %arg5[%add3A_13, %dma_wait3A] : memref<819200x64xf32, #tpu.memory_space<hbm>> -> memref<800x64xf32, #tpu.memory_space<hbm>>
    %dma_wait3A_15 = arith.constant 0 : i32
    %dma_wait3A_16 = tpu.memref_slice %arg5[%add3A_13, %dma_wait3A_15] : memref<819200x64xf32, #tpu.memory_space<hbm>> -> memref<800x64xf32, #tpu.memory_space<hbm>>
    tpu.wait_dma2 semaphore(%arg13 : memref<!tpu.dma_semaphore, #tpu.memory_space<semaphore_mem>>) src(%arg8 : memref<800x64xf32, #tpu.memory_space<vmem>>) dst(%dma_wait3A_16 : memref<800x64xf32, #tpu.memory_space<hbm>>)
    %add3A_17 = arith.constant 24800 : i32
    %add3A_18 = arith.addi %mul3A_2, %add3A_17 : i32
    %dma_wait3A_19 = arith.constant 0 : i32
    %dma_wait3A_20 = tpu.memref_slice %arg5[%add3A_18, %dma_wait3A_19] : memref<819200x64xf32, #tpu.memory_space<hbm>> -> memref<800x64xf32, #tpu.memory_space<hbm>>
    %dma_wait3A_21 = arith.constant 0 : i32
    %dma_wait3A_22 = tpu.memref_slice %arg5[%add3A_18, %dma_wait3A_21] : memref<819200x64xf32, #tpu.memory_space<hbm>> -> memref<800x64xf32, #tpu.memory_space<hbm>>
    tpu.wait_dma2 semaphore(%arg14 : memref<!tpu.dma_semaphore, #tpu.memory_space<semaphore_mem>>) src(%arg9 : memref<800x64xf32, #tpu.memory_space<vmem>>) dst(%dma_wait3A_22 : memref<800x64xf32, #tpu.memory_space<hbm>>)
    return
  }
}

</mosaic_0001>

<sc_bundles>
// kernel: kernel.3.cloned.1.call-start
scs
__scs_entry_jumppad:
0x0: {  	(pc) =	sbr.rel $0x88, $3  }
0x1: {  	(tag) =	ssettag $0x0;
	lr =	simm.s32 $0x1  }
0x2: {  	[smem:$0x3F9E] =	sst lr;
	_ =	strace $0xD0000000  }
0x3: {  	_ = 	snop  }
0x4: {  	_ = 	snop  }
0x5: {  	_ = 	snop  }
0x6: {  	_ = 	snop  }
0x7: {  	_ = 	snop  }
__scs_overlays_trampoline_lowered:
0x8: {  	[smem:$0x3FAD] =	sst s0  }
0x9: {  	[smem:$0x3FAE] =	sst s1  }
0xa: {  	[smem:$0x3FAF] =	sst s2  }
0xb: {  	[smem:$0x3FB0] =	sst s3  }
0xc: {  	[smem:$0x3FB1] =	sst s4  }
0xd: {  	[smem:$0x3FB2] =	sst s5  }
0xe: {  	[smem:$0x3FB3] =	sst s6  }
0xf: {  	[smem:$0x3FB4] =	sst s7  }
0x10: {  	[smem:$0x3FB5] =	sst s8  }
0x11: {  	[smem:$0x3FB6] =	sst s9;
	s0 =	simm.s32 @!p0 $0x0  }
0x12: {  	s1 =	sld [smem:$0x3F9C];
	s0 =	simm.s32 @p0 $0x1  }
0x13: {  	[smem:$0x3FB7] =	sst s0;
	s0 =	simm.s32 @!p1 $0x0  }
0x14: {  	s2 =	sld [smem:$0x3F9B];
	s0 =	simm.s32 @p1 $0x1  }
0x15: {  	[smem:$0x3FB8] =	sst s0;
	s0 =	simm.s32 @!p2 $0x0  }
0x16: {  	s3 =	sld [smem:$0x3FDB];
	s0 =	simm.s32 @p2 $0x1  }
0x17: {  	s4 =	simm.s32 $0x1BF5;
	[smem:$0x3FBA] =	sst s0  }
0x18: {  	s0 =	sld [smem:$0x3F9D];
	_ =	swait.ge [sflag:s4], $0x0  }
0x19: {  	s7 =	sld [smem:$0x3F9E]  }
0x1a: {  	s8 =	sadd.s32 $0xFFFFE003, lr  }
0x1b: {  	s9 =	sadd.s32 $0xFFFFFEF7, lr;
	s5 =	simm.s32 $0xFFFFFFFF;
	p2 =	slt.u32 s8, $0xFFFFF086  }
0x1c: {  	p1 =	slt.u32 s9, $0xF7A;
	s5 =	simm.s32 @!p2 $0x0  }
0x1d: {  	s5 =	simm.s32 @p1 $0x1;
	p0 =	seq.s32 s7, s2  }
0x1e: {  	s7 =	smul.u32 @!p0 $0xF7A, s2;
	p2 =	seq.s32 @!p0 s5, $0x0  }
0x1f: {  	s9 =	smul.u32 $0xF7A, s1;
	s8 =	simm.s32 @!p0 $0x1BF5;
	p2 =	por !p2, p0  }
0x20: {  	[sflag:s8] =	ssyncset.s32 @!p0 $0xFFFFF086;
	s6 =	sadd.s32 @!p0 s3, s7;
	s7 =	simm.s32 @!p0 $0x108  }
0x21: {  	s3 =	sadd.s32 s3, s9;
	s6 =	sadd.s32 @!p0 $0x88, s6;
	s7 =	simm.s32 @p2 $0x1082  }
0x22: {  	[simem:s7], [sflag:s8] =	dma.local @!p0 [hbm:s6], $0xF7A  }
0x23: {  	s9 =	sor.u32 $0xD0000000, s2;
	s6 =	simm.s32 $0x108;
	_ =	swait.ge @!p0 [sflag:s8], $0x0  }
0x24: {  	s3 =	sadd.s32 $0x88, s3;
	s6 =	simm.s32 @!p1 $0x1082;
	[sflag:s4] =	ssyncset.s32 $0xFFFFF086  }
0x25: {  	[simem:s6], [sflag:s4] =	dma.local [hbm:s3], $0xF7A  }
0x26: {  	[smem:$0x3F9E] =	sst s1;
	(tag) =	ssettag s2;
	_ =	strace s9  }
0x27: {  	s1 =	sld [smem:$0x3FAE]  }
0x28: {  	s2 =	sld [smem:$0x3FAF]  }
0x29: {  	s4 =	sld [smem:$0x3FB1]  }
0x2a: {  	p0 =	seq.s32 s5, $0x0;
	s5 =	sld [smem:$0x3FB2]  }
0x2b: {  	s6 =	sld [smem:$0x3FB3]  }
0x2c: {  	s7 =	sld [smem:$0x3FB4]  }
0x2d: {  	s3 =	simm.s32 $0x108;
	s8 =	sld [smem:$0x3FB5]  }
0x2e: {  	s3 =	simm.s32 @!p0 $0x1082;
	s9 =	sld [smem:$0x3FB6]  }
0x2f: {  	lr =	sadd.s32 s0, s3;
	s0 =	sld [smem:$0x3FAD]  }
0x30: {  	s3 =	sld [smem:$0x3FB0]  }
0x31: {  	[smem:$0x3FB9] =	sst s10  }
0x32: {  	s10 =	sld [smem:$0x3FB7];
	_ =	sdelay $0x3  }
0x33: {  	p0 =	seq.s32 s10, $0x1;
	s10 =	sld [smem:$0x3FB9];
	_ =	sdelay $0x3  }
0x34: {  	[smem:$0x3FB9] =	sst s10  }
0x35: {  	s10 =	sld [smem:$0x3FB8];
	_ =	sdelay $0x3  }
0x36: {  	p1 =	seq.s32 s10, $0x1;
	s10 =	sld [smem:$0x3FB9];
	_ =	sdelay $0x3  }
0x37: {  	[smem:$0x3FB9] =	sst s10  }
0x38: {  	s10 =	sld [smem:$0x3FBA]  }
0x39: {  	_ = 	snop;
	(pc) =	sbr.ind lr, $3  }
0x3a: {  	_ = 	snop  }
0x3b: {  	_ = 	snop  }
0x3c: {  	p2 =	seq.s32 s10, $0x1;
	s10 =	sld [smem:$0x3FB9]  }
0x3d: {  	_ =	shalt  }
0x3e: {  	_ =	shalt  }
0x3f: {  	_ =	shalt  }
0x40: {  	_ =	shalt  }
0x41: {  	_ =	shalt  }
0x42: {  	_ =	shalt  }
0x43: {  	_ =	shalt  }
0x44: {  	_ =	shalt  }
0x45: {  	_ =	shalt  }
0x46: {  	_ =	shalt  }
0x47: {  	_ =	shalt  }
0x48: {  	_ =	shalt  }
0x49: {  	_ =	shalt  }
0x4a: {  	_ =	shalt  }
0x4b: {  	_ =	shalt  }
0x4c: {  	_ =	shalt  }
0x4d: {  	_ =	shalt  }
0x4e: {  	_ =	shalt  }
0x4f: {  	_ =	shalt  }
0x50: {  	_ =	shalt  }
0x51: {  	_ =	shalt  }
0x52: {  	_ =	shalt  }
0x53: {  	_ =	shalt  }
0x54: {  	_ =	shalt  }
0x55: {  	_ =	shalt  }
0x56: {  	_ =	shalt  }
0x57: {  	_ =	shalt  }
0x58: {  	_ =	shalt  }
0x59: {  	_ =	shalt  }
0x5a: {  	_ =	shalt  }
0x5b: {  	_ =	shalt  }
0x5c: {  	_ =	shalt  }
0x5d: {  	_ =	shalt  }
0x5e: {  	_ =	shalt  }
0x5f: {  	_ =	shalt  }
0x60: {  	_ =	shalt  }
0x61: {  	_ =	shalt  }
0x62: {  	_ =	shalt  }
0x63: {  	_ =	shalt  }
0x64: {  	_ =	shalt  }
0x65: {  	_ =	shalt  }
0x66: {  	_ =	shalt  }
0x67: {  	_ =	shalt  }
0x68: {  	_ =	shalt  }
0x69: {  	_ =	shalt  }
0x6a: {  	_ =	shalt  }
0x6b: {  	_ =	shalt  }
0x6c: {  	_ =	shalt  }
0x6d: {  	_ =	shalt  }
0x6e: {  	_ =	shalt  }
0x6f: {  	_ =	shalt  }
0x70: {  	_ =	shalt  }
0x71: {  	_ =	shalt  }
0x72: {  	_ =	shalt  }
0x73: {  	_ =	shalt  }
0x74: {  	_ =	shalt  }
0x75: {  	_ =	shalt  }
0x76: {  	_ =	shalt  }
0x77: {  	_ =	shalt  }
0x78: {  	_ =	shalt  }
0x79: {  	_ =	shalt  }
0x7a: {  	_ =	shalt  }
0x7b: {  	_ =	shalt  }
0x7c: {  	_ =	shalt  }
0x7d: {  	_ =	shalt  }
0x7e: {  	_ =	shalt  }
0x7f: {  	_ =	shalt  }
0x80: {  	_ =	shalt  }
0x81: {  	_ =	shalt  }
0x82: {  	_ =	shalt  }
0x83: {  	_ =	shalt  }
0x84: {  	_ =	shalt  }
0x85: {  	_ =	shalt  }
0x86: {  	_ =	shalt  }
0x87: {  	_ =	shalt  }
.Lfunc_end0:
.L_simem_size_0:
called_computation.1_lowered:
.L_overlay_start_0:
0x88: {  	s2 =	sld [smem:$0x3FD9]  }
0x89: {  	s3 =	sld [smem:$0x3FFE];
	_ =	sdelay $0x1  }
0x8a: {  	s1 =	srdreg.scid  }
0x8b: {  	s0 =	sand.u32 $0x1, s1  }
0x8c: {  	s17 =	sshll.u32 s0, $0xA;
	s2 =	sadd.s32 s3, s2  }
0x8d: {  	s2 =	sadd.s32 s2, s17  }
0x8e: {  	[smem:$0x3FC5] =	sst s2  }
0x8f: {  	_ = 	snop  }
0x90: {  	s2 =	sld [smem:$0x3FD0];
	(tm) =	ssettm $0x1  }
0x91: {  	s18 =	sld [smem:$0x3FFB];
	_ =	sdelay $0x3  }
0x92: {  	_ =	strace s18  }
0x93: {  	s3 =	sld [smem:$0x3FFC];
	_ =	sdelay $0x3  }
0x94: {  	_ =	strace s3  }
0x95: {  	s3 =	sld [smem:$0x3FFD];
	_ =	sdelay $0x3  }
0x96: {  	_ =	strace s3  }
0x97: {  	_ =	strace $0x8FFFFFFF  }
0x98: {  	s19 =	sld [smem:$0x3FDB];
	_ =	sdelay $0x1  }
0x99: {  	s4 =	simm.s32 $_scs_section_size  }
0x9a: {  	s5 =	simm.s32 $_size__tile_overlayer_lowered;
	s6 =	simm.s32 $_tile_overlayer_lowered  }
0x9b: {  	s22 =	simm.s32 $0x1BFF;
	s21 =	sshll.u32 s6, $0x1;
	s3 =	sadd.s32 s4, s19  }
0x9c: {  	s7 =	simm.s32 $0x0;
	s20 =	sshll.u32 s5, $0x1;
	s5 =	sadd.s32 s21, s3  }
0x9d: {  	[timem:s7], [sflag:s22] =	dma.local [hbm:s5], s20  }
0x9e: {  	_ =	swait.ge [sflag:s22], s20  }
0x9f: {  	s4 =	ssub.s32 $0x0, s20;
	[sflag:s22] =	ssyncset.done $0x0  }
0xa0: {  	[sflag:s22] =	ssyncadd.s32 s4;
	_ =	sdelay $0x1  }
0xa1: {  	s23 =	simm.s32 $0x1B8B  }
0xa2: {  	_ =	swait.ge [sflag:s23], $0x1  }
0xa3: {  	[sflag:s23] =	ssyncset.done $0x0  }
0xa4: {  	s25 =	simm.s32 $0x1B8E;
	s24 =	sld [smem:$0x3FFE];
	[sflag:s23] =	ssyncadd.s32 $0xFFFFFFFF  }
0xa5: {  	s26 =	simm.s32 $execute0_lowered;
	[smem:$0x3FD2] =	sst s25  }
0xa6: {  	s5 =	sshll.u32 s26, $0x1;
	_ =	strace $0x80000046;
	[dreg:$0x1] =	wrdreg $0xFFFFFFFF  }
0xa7: {  	s28 =	simm.s32 $_size_execute0_lowered;
	s3 =	sadd.s32 s3, s5;
	[dreg:$0x0] =	wrdreg $0x0  }
0xa8: {  	s5 =	sshll.u32 s28, $0x1;
	[dreg:$0x2] =	wrdreg s3  }
0xa9: {  	[dreg:$0x3] =	wrdreg s5  }
0xaa: {  	[dreg:$0x4] =	wrdreg $0xC0  }
0xab: {  	_ =	task [dreg:s7], $0x5FFFF  }
0xac: {  	[dreg:$0x1] =	wrdreg $0xFFFFFFFF  }
0xad: {  	[dreg:$0x0] =	wrdreg $0x60  }
0xae: {  	[dreg:$0x2] =	wrdreg s24  }
0xaf: {  	[dreg:$0x3] =	wrdreg s2  }
0xb0: {  	[dreg:$0x4] =	wrdreg $0x9  }
0xb1: {  	_ =	task.clear_ibuf [dreg:s7], $0x5FFFF;
	_ =	strace $0x90000046  }
0xb2: {  	s29 =	simm.s32 $0x9;
	_ =	strace $0x80000048  }
0xb3: {  	_ =	swait.ge [sflag:s29], $0x1  }
0xb4: {  	[sflag:s29] =	ssyncadd.s32 $0xFFFFFFFF  }
0xb5: {  	_ =	strace $0x90000048  }
0xb6: {  	_ =	sfence  }
0xb7: {  	s30 =	sld [smem:$0x0];
	_ =	sdelay $0x2  }
0xb8: {  	s31 =	sshll.u32 s1, $0xD;
	s1 =	sshrl.u32 s1, $0x2  }
0xb9: {  	s3 =	sand.u32 $0x4000, s31;
	s1 =	sadd.s32 s1, s30  }
0xba: {  	s0 =	sor.u32 s3, s0;
	s1 =	sshll.u32 s1, $0x11  }
0xbb: {  	s0 =	sor.u32 s1, s0  }
0xbc: {  	s0 =	sadd.s32 $0x8F2B, s0  }
0xbd: {  	[sflag:s0] =	ssyncadd.remote.s32 $0x1  }
0xbe: {  	_ =	sfence.sel $0xFFFF  }
0xbf: {  	[dreg:$0x0] =	wrdreg $0xFFFFFFFF;
	(pc) =	sbr.abs _section_cstart, $3  }
0xc0: {  	[dreg:$0x1] =	wrdreg $0xFFFFFFFF  }
0xc1: {  	_ =	task.clear_ibuf [dreg:s7], $0x2FFFF;
	_ =	strace $0x9FFFFFFF  }
0xc2: {  	(tm) =	ssettm $0x7FFFFFFF  }
0xc3: {  	_ =	shalt  }
tec
execute0_lowered:
.L_overlay_start_1:
0x0: {  	(tag) =	ssettag $0x1  }
0x1: {  	s7 =	rddreg [dreg:$0x0]  }
0x2: {  	s2 =	rddreg [dreg:$0x1]  }
0x3: {  	s0 =	rddreg [dreg:$0x2]  }
0x4: {  	s4 =	srdreg.scid;
	s1 =	stileid.u32;
	s3 =	simm.s32 $0x0  }
0x5: {  	s12 =	simm.s32 $0x19640;
	s13 =	simm.s32 $0x5;
	s14 =	simm.s32 $0x320  }
0x6: {  	s15 =	simm.s32 $0x640;
	s16 =	simm.s32 $0xCE40;
	s17 =	simm.s32 $0x1  }
0x7: {  	s18 =	simm.s32 $0x2;
	s19 =	simm.s32 $0x3;
	s20 =	simm.s32 $0x4  }
0x8: {  	s21 =	simm.s32 $0x0;
	s8 =	sand.u32 $0x1, s4;
	s31 =	sshll.u32 s1, $0x1  }
0x9: {  	[smem:$0x7FF] =	sst s3;
	s5 =	sadd.s32 $0x1000, s7;
	s4 =	sor.u32 s8, s31  }
0xa: {  	s6 =	sadd.s32 $0x1A000, s7;
	s8 =	ssub.s32 $0x2, s8;
	s4 =	smul.u32 $0x6400, s4  }
0xb: {  	s7 =	sadd.s32 $0x800, s7;
	_ =	strace $0x80000047;
	s9 =	sshrl.u32 s8, $0x1  }
0xc: {  	s11 =	ssub.s32 s8, s9;
	s10 =	sshrl.u32 s4, $0x3;
	s9 =	sor.u32 $0x320, s4  }
0xd: {  	s11 =	smax.u32 s11, $0x1;
	s8 =	sadd.s32 s5, s10;
	s10 =	sadd.s32 $0x640, s4  }
.LBB2_1:
0xe: {  	[tilespmem:s12], [sflag:$0x5] =	stream.linear.gather [hbm4b:s7+s3], $0x3200, $0x38;
	[tilespmem:$0x1C840] =	vst v63  }
0xf: {  	_ =	swait.ge [sflag:s13], $0x3200  }
0x10: {  	[sflag:s13] =	ssyncset.done $0x0  }
0x11: {  	[sflag:s13] =	ssyncadd.s32 $0xFFFFCE00  }
0x12: {  	[tilespmem:s3], [sflag:$0x5] =	stream.linear.gather [hbm4b:s8+s3], $0x320, $0x38;
	[tilespmem:$0x1C840] =	vst v63  }
0x13: {  	_ =	swait.ge [sflag:s13], $0x320  }
0x14: {  	[sflag:s13] =	ssyncset.done $0x0  }
0x15: {  	s22 =	simm.s32 $0x0;
	[sflag:s13] =	ssyncadd.s32 $0xFFFFFCE0  }
0x16: {  	[tilespmem:s15], [sflag:$0x1] =	stream.indirect.gather [hbm4b:s6+s14], $0x40, s3, s14, $0xb8;
	[tilespmem:$0x1C840] =	vst v63  }
.LBB2_2:
0x17: {  	p0 =	seq.s32 s22, $0x0;
	s24 =	smul.u32 $0x640, s22  }
0x18: {  	s25 =	simm.s32 @!p0 $0x4  }
0x19: {  	_ =	swait.ge @!p0 [sflag:s25], $0xC800;
	s23 =	sadd.s32 s24, s9  }
0x1a: {  	[sflag:s25] =	ssyncset.done @!p0 $0x0;
	s26 =	sshrl.u32 s23, $0x3  }
0x1b: {  	s31 =	simm.s32 $0x0;
	[sflag:s25] =	ssyncadd.s32 @!p0 $0xFFFF3800;
	s30 =	sadd.s32 s5, s26  }
0x1c: {  	[tilespmem:s14], [sflag:$0x5] =	stream.linear.gather [hbm4b:s30+s31], $0x320, $0x38;
	[tilespmem:$0x1C840] =	vst v63  }
0x1d: {  	_ =	swait.ge [sflag:s13], $0x320  }
0x1e: {  	[sflag:s13] =	ssyncset.done $0x0  }
0x1f: {  	[sflag:s13] =	ssyncadd.s32 $0xFFFFFCE0  }
0x20: {  	[tilespmem:s16], [sflag:$0x2] =	stream.indirect.gather [hbm4b:s6+s14], $0x40, s14, s14, $0xb8;
	[tilespmem:$0x1C840] =	vst v63  }
0x21: {  	_ =	swait.ge [sflag:s17], $0xC800  }
0x22: {  	[sflag:s17] =	ssyncset.done $0x0  }
0x23: {  	s25 =	simm.s32 $0x0;
	[sflag:s17] =	ssyncadd.s32 $0xFFFF3800  }
0x24: {  	v6 =	vld [tilespmem:s25+$0x19640]  }
0x25: {  	v7 =	vld [tilespmem:s25+$0x19650]  }
0x26: {  	v8 =	vld [tilespmem:s25+$0x19660]  }
0x27: {  	v9 =	vld [tilespmem:s25+$0x19670]  }
0x28: {  	v10 =	vld [tilespmem:s25+$0x19640]  }
0x29: {  	v11 =	vld [tilespmem:s25+$0x19650]  }
0x2a: {  	v12 =	vld [tilespmem:s25+$0x19660]  }
0x2b: {  	v13 =	vld [tilespmem:s25+$0x19670]  }
0x2c: {  	v14 =	vld [tilespmem:s25+$0x19640]  }
0x2d: {  	v15 =	vld [tilespmem:s25+$0x19650]  }
0x2e: {  	v16 =	vld [tilespmem:s25+$0x19660]  }
0x2f: {  	v17 =	vld [tilespmem:s25+$0x19670]  }
0x30: {  	v18 =	vld [tilespmem:s25+$0x19680]  }
0x31: {  	v19 =	vld [tilespmem:s25+$0x19690]  }
0x32: {  	v20 =	vld [tilespmem:s25+$0x196A0]  }
0x33: {  	v21 =	vld [tilespmem:s25+$0x196B0]  }
0x34: {  	v22 =	vld [tilespmem:s25+$0x19680]  }
0x35: {  	v23 =	vld [tilespmem:s25+$0x19690]  }
0x36: {  	v24 =	vld [tilespmem:s25+$0x196A0]  }
0x37: {  	v25 =	vld [tilespmem:s25+$0x196B0]  }
0x38: {  	v26 =	vld [tilespmem:s25+$0x19680]  }
0x39: {  	v27 =	vld [tilespmem:s25+$0x19690]  }
0x3a: {  	v5 =	vld [tilespmem:s25+$0x196A0]  }
0x3b: {  	v4 =	vld [tilespmem:s25+$0x196B0]  }
0x3c: {  	v3 =	vld [tilespmem:s25+$0x19680]  }
0x3d: {  	v2 =	vld [tilespmem:s25+$0x19690]  }
0x3e: {  	v1 =	vld [tilespmem:s25+$0x196A0]  }
0x3f: {  	v0 =	vld [tilespmem:s25+$0x196B0]  }
0x40: {  	v28 =	vld [tilespmem:s25+$0x640]  }
0x41: {  	v29 =	vld [tilespmem:s25+$0x650]  }
0x42: {  	v30 =	vld [tilespmem:s25+$0x660]  }
0x43: {  	v31 =	vld [tilespmem:s25+$0x670]  }
0x44: {  	v32 =	vld [tilespmem:s25+$0x3840]  }
0x45: {  	v33 =	vld [tilespmem:s25+$0x3850];
	v28 =	vadd.f32 v6, v28  }
0x46: {  	v34 =	vld [tilespmem:s25+$0x3860];
	v29 =	vadd.f32 v7, v29  }
0x47: {  	v60 =	vld [tilespmem:s25+$0x3870];
	v30 =	vadd.f32 v8, v30;
	[tilespmem:s25+$0x640] =	vst v28  }
0x48: {  	v61 =	vld [tilespmem:s25+$0x6A40];
	v31 =	vadd.f32 v9, v31;
	[tilespmem:s25+$0x650] =	vst v29  }
0x49: {  	v62 =	vld [tilespmem:s25+$0x6A50];
	v6 =	vadd.f32 v6, v32;
	[tilespmem:s25+$0x660] =	vst v30  }
0x4a: {  	v63 =	vld [tilespmem:s25+$0x6A60];
	v7 =	vadd.f32 v7, v33;
	[tilespmem:s25+$0x670] =	vst v31  }
0x4b: {  	v8 =	vadd.f32 v8, v34;
	[tilespmem:s25+$0x3840] =	vst v6;
	v6 =	vld [tilespmem:s25+$0x6A70]  }
0x4c: {  	v9 =	vadd.f32 v9, v60;
	[tilespmem:s25+$0x3850] =	vst v7;
	v7 =	vld [tilespmem:s25+$0x9C40]  }
0x4d: {  	v10 =	vadd.f32 v10, v61;
	[tilespmem:s25+$0x3860] =	vst v8;
	v8 =	vld [tilespmem:s25+$0x9C50]  }
0x4e: {  	v11 =	vadd.f32 v11, v62;
	[tilespmem:s25+$0x3870] =	vst v9;
	v9 =	vld [tilespmem:s25+$0x9C60]  }
0x4f: {  	v12 =	vadd.f32 v12, v63;
	[tilespmem:s25+$0x6A40] =	vst v10;
	v10 =	vld [tilespmem:s25+$0x9C70]  }
0x50: {  	[tilespmem:s25+$0x6A50] =	vst v11;
	v11 =	vld [tilespmem:s25+$0x680];
	v6 =	vadd.f32 v13, v6  }
0x51: {  	[tilespmem:s25+$0x6A60] =	vst v12;
	v12 =	vld [tilespmem:s25+$0x690];
	v7 =	vadd.f32 v14, v7  }
0x52: {  	v8 =	vadd.f32 v15, v8;
	[tilespmem:s25+$0x6A70] =	vst v6;
	v6 =	vld [tilespmem:s25+$0x6A0]  }
0x53: {  	v9 =	vadd.f32 v16, v9;
	[tilespmem:s25+$0x9C40] =	vst v7;
	v7 =	vld [tilespmem:s25+$0x6B0]  }
0x54: {  	v10 =	vadd.f32 v17, v10;
	[tilespmem:s25+$0x9C50] =	vst v8;
	v8 =	vld [tilespmem:s25+$0x3880]  }
0x55: {  	v11 =	vadd.f32 v18, v11;
	[tilespmem:s25+$0x9C60] =	vst v9;
	v9 =	vld [tilespmem:s25+$0x3890]  }
0x56: {  	v12 =	vadd.f32 v19, v12;
	[tilespmem:s25+$0x9C70] =	vst v10;
	v10 =	vld [tilespmem:s25+$0x38A0]  }
0x57: {  	[tilespmem:s25+$0x680] =	vst v11;
	v11 =	vld [tilespmem:s25+$0x38B0];
	v6 =	vadd.f32 v20, v6  }
0x58: {  	[tilespmem:s25+$0x690] =	vst v12;
	v12 =	vld [tilespmem:s25+$0x6A80];
	v7 =	vadd.f32 v21, v7  }
0x59: {  	v13 =	vld [tilespmem:s25+$0x6A90];
	[tilespmem:s25+$0x6A0] =	vst v6;
	v6 =	vadd.f32 v22, v8  }
0x5a: {  	[tilespmem:s25+$0x6B0] =	vst v7;
	v7 =	vld [tilespmem:s25+$0x6AA0];
	v8 =	vadd.f32 v23, v9  }
0x5b: {  	v9 =	vadd.f32 v24, v10;
	[tilespmem:s25+$0x3880] =	vst v6;
	v6 =	vld [tilespmem:s25+$0x6AB0]  }
0x5c: {  	v10 =	vadd.f32 v25, v11;
	[tilespmem:s25+$0x3890] =	vst v8;
	v8 =	vld [tilespmem:s25+$0x9C80]  }
0x5d: {  	v12 =	vadd.f32 v26, v12;
	[tilespmem:s25+$0x38A0] =	vst v9;
	v9 =	vld [tilespmem:s25+$0x9C90]  }
0x5e: {  	s26 =	simm.s32 $0x200;
	v11 =	vadd.f32 v27, v13;
	[tilespmem:s25+$0x38B0] =	vst v10;
	v10 =	vld [tilespmem:s25+$0x9CA0]  }
.LBB2_3:
0x5f: {  	s28 =	sshra.s32 s26, $0x2;
	p0 =	sne.s32 s26, $0xC600;
	[tilespmem:s25+$0x6A80] =	vst v12;
	v5 =	vadd.f32 v5, v7;
	v7 =	vld [tilespmem:s25+$0x9CB0]  }
0x60: {  	v12 =	vld [tilespmem:s28+$0x19640];
	[tilespmem:s25+$0x6A90] =	vst v11;
	v4 =	vadd.f32 v4, v6  }
0x61: {  	v6 =	vld [tilespmem:s28+$0x19650];
	[tilespmem:s25+$0x6AA0] =	vst v5;
	v3 =	vadd.f32 v3, v8  }
0x62: {  	v8 =	vld [tilespmem:s28+$0x19660];
	[tilespmem:s25+$0x6AB0] =	vst v4;
	v2 =	vadd.f32 v2, v9  }
0x63: {  	v9 =	vld [tilespmem:s28+$0x19670];
	[tilespmem:s25+$0x9C80] =	vst v3;
	v1 =	vadd.f32 v1, v10  }
0x64: {  	v10 =	vld [tilespmem:s28+$0x19640];
	[tilespmem:s25+$0x9C90] =	vst v2;
	v0 =	vadd.f32 v0, v7  }
0x65: {  	v7 =	vld [tilespmem:s28+$0x19650];
	[tilespmem:s25+$0x9CA0] =	vst v1  }
0x66: {  	v11 =	vld [tilespmem:s28+$0x19660];
	[tilespmem:s25+$0x9CB0] =	vst v0;
	s25 =	smov.u32 s28  }
0x67: {  	v13 =	vld [tilespmem:s25+$0x19670]  }
0x68: {  	v14 =	vld [tilespmem:s25+$0x19640]  }
0x69: {  	v15 =	vld [tilespmem:s25+$0x19650]  }
0x6a: {  	v16 =	vld [tilespmem:s25+$0x19660]  }
0x6b: {  	v17 =	vld [tilespmem:s25+$0x19670]  }
0x6c: {  	v18 =	vld [tilespmem:s25+$0x19680]  }
0x6d: {  	v19 =	vld [tilespmem:s25+$0x19690]  }
0x6e: {  	v20 =	vld [tilespmem:s25+$0x196A0]  }
0x6f: {  	v21 =	vld [tilespmem:s25+$0x196B0]  }
0x70: {  	v22 =	vld [tilespmem:s25+$0x19680]  }
0x71: {  	v23 =	vld [tilespmem:s25+$0x19690]  }
0x72: {  	v24 =	vld [tilespmem:s25+$0x196A0]  }
0x73: {  	v25 =	vld [tilespmem:s25+$0x196B0]  }
0x74: {  	v26 =	vld [tilespmem:s25+$0x19680]  }
0x75: {  	v27 =	vld [tilespmem:s25+$0x19690]  }
0x76: {  	v5 =	vld [tilespmem:s25+$0x196A0]  }
0x77: {  	v4 =	vld [tilespmem:s25+$0x196B0]  }
0x78: {  	v3 =	vld [tilespmem:s25+$0x19680]  }
0x79: {  	v2 =	vld [tilespmem:s25+$0x19690]  }
0x7a: {  	v1 =	vld [tilespmem:s25+$0x196A0]  }
0x7b: {  	v0 =	vld [tilespmem:s25+$0x196B0]  }
0x7c: {  	v28 =	vld [tilespmem:s25+$0x640]  }
0x7d: {  	v29 =	vld [tilespmem:s25+$0x650]  }
0x7e: {  	v30 =	vld [tilespmem:s25+$0x660]  }
0x7f: {  	v31 =	vld [tilespmem:s25+$0x670]  }
0x80: {  	v32 =	vld [tilespmem:s25+$0x3840]  }
0x81: {  	v28 =	vadd.f32 v12, v28;
	v33 =	vld [tilespmem:s25+$0x3850]  }
0x82: {  	v29 =	vadd.f32 v6, v29;
	v34 =	vld [tilespmem:s25+$0x3860]  }
0x83: {  	[tilespmem:s25+$0x640] =	vst v28;
	v28 =	vadd.f32 v8, v30;
	v30 =	vld [tilespmem:s25+$0x3870]  }
0x84: {  	[tilespmem:s25+$0x650] =	vst v29;
	v29 =	vadd.f32 v9, v31;
	v31 =	vld [tilespmem:s25+$0x6A40]  }
0x85: {  	[tilespmem:s25+$0x660] =	vst v28;
	v12 =	vadd.f32 v12, v32;
	v28 =	vld [tilespmem:s25+$0x6A50]  }
0x86: {  	[tilespmem:s25+$0x670] =	vst v29;
	v6 =	vadd.f32 v6, v33;
	v29 =	vld [tilespmem:s25+$0x6A60]  }
0x87: {  	[tilespmem:s25+$0x3840] =	vst v12;
	v8 =	vadd.f32 v8, v34;
	v12 =	vld [tilespmem:s25+$0x6A70]  }
0x88: {  	[tilespmem:s25+$0x3850] =	vst v6;
	v6 =	vadd.f32 v9, v30;
	v9 =	vld [tilespmem:s25+$0x9C40]  }
0x89: {  	[tilespmem:s25+$0x3860] =	vst v8;
	v8 =	vadd.f32 v10, v31;
	v10 =	vld [tilespmem:s25+$0x9C50]  }
0x8a: {  	[tilespmem:s25+$0x3870] =	vst v6;
	v6 =	vadd.f32 v7, v28;
	v7 =	vld [tilespmem:s25+$0x9C60]  }
0x8b: {  	[tilespmem:s25+$0x6A40] =	vst v8;
	v8 =	vadd.f32 v11, v29;
	v11 =	vld [tilespmem:s25+$0x9C70]  }
0x8c: {  	[tilespmem:s25+$0x6A50] =	vst v6;
	v6 =	vadd.f32 v13, v12;
	v12 =	vld [tilespmem:s25+$0x680]  }
0x8d: {  	[tilespmem:s25+$0x6A60] =	vst v8;
	v8 =	vadd.f32 v14, v9;
	v9 =	vld [tilespmem:s25+$0x690]  }
0x8e: {  	[tilespmem:s25+$0x6A70] =	vst v6;
	v6 =	vadd.f32 v15, v10;
	v10 =	vld [tilespmem:s25+$0x6A0]  }
0x8f: {  	[tilespmem:s25+$0x9C40] =	vst v8;
	v7 =	vadd.f32 v16, v7;
	v8 =	vld [tilespmem:s25+$0x6B0]  }
0x90: {  	[tilespmem:s25+$0x9C50] =	vst v6;
	v6 =	vadd.f32 v17, v11;
	v11 =	vld [tilespmem:s25+$0x3880]  }
0x91: {  	[tilespmem:s25+$0x9C60] =	vst v7;
	v7 =	vadd.f32 v18, v12;
	v12 =	vld [tilespmem:s25+$0x3890]  }
0x92: {  	[tilespmem:s25+$0x9C70] =	vst v6;
	v6 =	vadd.f32 v19, v9;
	v9 =	vld [tilespmem:s25+$0x38A0]  }
0x93: {  	[tilespmem:s25+$0x680] =	vst v7;
	v7 =	vadd.f32 v20, v10;
	v10 =	vld [tilespmem:s25+$0x38B0]  }
0x94: {  	[tilespmem:s25+$0x690] =	vst v6;
	v6 =	vadd.f32 v21, v8;
	v13 =	vld [tilespmem:s25+$0x6A80]  }
0x95: {  	[tilespmem:s25+$0x6A0] =	vst v7;
	v8 =	vadd.f32 v22, v11;
	v11 =	vld [tilespmem:s25+$0x6A90]  }
.Ltmp0:
0x96: {  	[tilespmem:s25+$0x6B0] =	vst v6;
	v12 =	vadd.f32 v23, v12;
	v7 =	vld [tilespmem:s25+$0x6AA0];
	(pc) =	sbr.rel @p0 .LBB2_3-.Ltmp0, $4  }
0x97: {  	[tilespmem:s25+$0x3880] =	vst v8;
	v9 =	vadd.f32 v24, v9;
	v6 =	vld [tilespmem:s25+$0x6AB0]  }
0x98: {  	[tilespmem:s25+$0x3890] =	vst v12;
	v10 =	vadd.f32 v25, v10;
	v8 =	vld [tilespmem:s25+$0x9C80]  }
0x99: {  	[tilespmem:s25+$0x38A0] =	vst v9;
	v12 =	vadd.f32 v26, v13;
	v9 =	vld [tilespmem:s25+$0x9C90]  }
0x9a: {  	s26 =	sadd.s32 $0x200, s26;
	[tilespmem:s25+$0x38B0] =	vst v10;
	v11 =	vadd.f32 v27, v11;
	v10 =	vld [tilespmem:s25+$0x9CA0]  }
0x9b: {  	[tilespmem:s25+$0x6A80] =	vst v12;
	v5 =	vadd.f32 v5, v7;
	v7 =	vld [tilespmem:s25+$0x9CB0]  }
0x9c: {  	[tilespmem:s25+$0x6A90] =	vst v11;
	v4 =	vadd.f32 v4, v6  }
0x9d: {  	[tilespmem:s25+$0x6AA0] =	vst v5;
	v3 =	vadd.f32 v3, v8  }
0x9e: {  	[tilespmem:s25+$0x6AB0] =	vst v4;
	v2 =	vadd.f32 v2, v9  }
0x9f: {  	[tilespmem:s25+$0x9C80] =	vst v3;
	v1 =	vadd.f32 v1, v10  }
0xa0: {  	s26 =	sadd.s32 s4, s24;
	[tilespmem:s25+$0x9C90] =	vst v2;
	v0 =	vadd.f32 v0, v7  }
0xa1: {  	p0 =	seq.s32 s22, $0xF;
	s26 =	sshll.u32 s26, $0x3;
	[tilespmem:s25+$0x9CA0] =	vst v1  }
0xa2: {  	s31 =	sadd.s32 s2, s26;
	[tilespmem:s25+$0x9CB0] =	vst v0;
	s25 =	simm.s32 @!p0 $0x3  }
0xa3: {  	[hbm4b:s31+s3] =	stream.linear.scatter [tilespmem:s15], [sflag:$0x3], $0xC800, $0x38;
	[tilespmem:$0x1C840] =	vst v63  }
0xa4: {  	s24 =	sadd.s32 @!p0 s24, s10;
	_ =	swait.ge @!p0 [sflag:s25], $0xC800  }
0xa5: {  	s24 =	sshrl.u32 @!p0 s24, $0x3;
	[sflag:s25] =	ssyncset.done @!p0 $0x0  }
0xa6: {  	s24 =	sadd.s32 @!p0 s5, s24;
	[sflag:s25] =	ssyncadd.s32 @!p0 $0xFFFF3800;
	s25 =	simm.s32 @!p0 $0x0  }
0xa7: {  	[tilespmem:s25], [sflag:$0x5] =	stream.linear.gather @!p0 [hbm4b:s24+s25], $0x320, $0x38;
	[tilespmem:$0x1C840] =	vst v63  }
0xa8: {  	s24 =	simm.s32 @!p0 $0x5  }
0xa9: {  	_ =	swait.ge @!p0 [sflag:s24], $0x320  }
0xaa: {  	[sflag:s24] =	ssyncset.done @!p0 $0x0  }
0xab: {  	s26 =	simm.s32 @!p0 $0x640;
	[sflag:s24] =	ssyncadd.s32 @!p0 $0xFFFFFCE0;
	s24 =	simm.s32 @!p0 $0x320  }
0xac: {  	[tilespmem:s26], [sflag:$0x1] =	stream.indirect.gather @!p0 [hbm4b:s6+s24], $0x40, s25, s24, $0xb8;
	[tilespmem:$0x1C840] =	vst v63  }
0xad: {  	_ =	swait.ge [sflag:s18], $0xC800  }
0xae: {  	[sflag:s18] =	ssyncset.done $0x0  }
0xaf: {  	s24 =	simm.s32 $0x0;
	[sflag:s18] =	ssyncadd.s32 $0xFFFF3800  }
0xb0: {  	v6 =	vld [tilespmem:s24+$0x19640]  }
0xb1: {  	v7 =	vld [tilespmem:s24+$0x19650]  }
0xb2: {  	v8 =	vld [tilespmem:s24+$0x19660]  }
0xb3: {  	v9 =	vld [tilespmem:s24+$0x19670]  }
0xb4: {  	v10 =	vld [tilespmem:s24+$0x19640]  }
0xb5: {  	v11 =	vld [tilespmem:s24+$0x19650]  }
0xb6: {  	v12 =	vld [tilespmem:s24+$0x19660]  }
0xb7: {  	v13 =	vld [tilespmem:s24+$0x19670]  }
0xb8: {  	v14 =	vld [tilespmem:s24+$0x19640]  }
0xb9: {  	v15 =	vld [tilespmem:s24+$0x19650]  }
0xba: {  	v16 =	vld [tilespmem:s24+$0x19660]  }
0xbb: {  	v17 =	vld [tilespmem:s24+$0x19670]  }
0xbc: {  	v18 =	vld [tilespmem:s24+$0x19680]  }
0xbd: {  	v19 =	vld [tilespmem:s24+$0x19690]  }
0xbe: {  	v20 =	vld [tilespmem:s24+$0x196A0]  }
0xbf: {  	v21 =	vld [tilespmem:s24+$0x196B0]  }
0xc0: {  	v22 =	vld [tilespmem:s24+$0x19680]  }
0xc1: {  	v23 =	vld [tilespmem:s24+$0x19690]  }
0xc2: {  	v24 =	vld [tilespmem:s24+$0x196A0]  }
0xc3: {  	v25 =	vld [tilespmem:s24+$0x196B0]  }
0xc4: {  	v26 =	vld [tilespmem:s24+$0x19680]  }
0xc5: {  	v27 =	vld [tilespmem:s24+$0x19690]  }
0xc6: {  	v5 =	vld [tilespmem:s24+$0x196A0]  }
0xc7: {  	v4 =	vld [tilespmem:s24+$0x196B0]  }
0xc8: {  	v3 =	vld [tilespmem:s24+$0x19680]  }
0xc9: {  	v2 =	vld [tilespmem:s24+$0x19690]  }
0xca: {  	v1 =	vld [tilespmem:s24+$0x196A0]  }
0xcb: {  	v0 =	vld [tilespmem:s24+$0x196B0]  }
0xcc: {  	v28 =	vld [tilespmem:s24+$0xCE40]  }
0xcd: {  	v29 =	vld [tilespmem:s24+$0xCE50]  }
0xce: {  	v30 =	vld [tilespmem:s24+$0xCE60]  }
0xcf: {  	v31 =	vld [tilespmem:s24+$0xCE70]  }
0xd0: {  	v32 =	vld [tilespmem:s24+$0x10040]  }
0xd1: {  	v33 =	vld [tilespmem:s24+$0x10050];
	v28 =	vadd.f32 v6, v28  }
0xd2: {  	v34 =	vld [tilespmem:s24+$0x10060];
	v29 =	vadd.f32 v7, v29  }
0xd3: {  	v60 =	vld [tilespmem:s24+$0x10070];
	v30 =	vadd.f32 v8, v30;
	[tilespmem:s24+$0xCE40] =	vst v28  }
0xd4: {  	v61 =	vld [tilespmem:s24+$0x13240];
	v31 =	vadd.f32 v9, v31;
	[tilespmem:s24+$0xCE50] =	vst v29  }
0xd5: {  	v62 =	vld [tilespmem:s24+$0x13250];
	v6 =	vadd.f32 v6, v32;
	[tilespmem:s24+$0xCE60] =	vst v30  }
0xd6: {  	v63 =	vld [tilespmem:s24+$0x13260];
	v7 =	vadd.f32 v7, v33;
	[tilespmem:s24+$0xCE70] =	vst v31  }
0xd7: {  	v8 =	vadd.f32 v8, v34;
	[tilespmem:s24+$0x10040] =	vst v6;
	v6 =	vld [tilespmem:s24+$0x13270]  }
0xd8: {  	v9 =	vadd.f32 v9, v60;
	[tilespmem:s24+$0x10050] =	vst v7;
	v7 =	vld [tilespmem:s24+$0x16440]  }
0xd9: {  	v10 =	vadd.f32 v10, v61;
	[tilespmem:s24+$0x10060] =	vst v8;
	v8 =	vld [tilespmem:s24+$0x16450]  }
0xda: {  	v11 =	vadd.f32 v11, v62;
	[tilespmem:s24+$0x10070] =	vst v9;
	v9 =	vld [tilespmem:s24+$0x16460]  }
0xdb: {  	v12 =	vadd.f32 v12, v63;
	[tilespmem:s24+$0x13240] =	vst v10;
	v10 =	vld [tilespmem:s24+$0x16470]  }
0xdc: {  	[tilespmem:s24+$0x13250] =	vst v11;
	v11 =	vld [tilespmem:s24+$0xCE80];
	v6 =	vadd.f32 v13, v6  }
0xdd: {  	[tilespmem:s24+$0x13260] =	vst v12;
	v12 =	vld [tilespmem:s24+$0xCE90];
	v7 =	vadd.f32 v14, v7  }
0xde: {  	v8 =	vadd.f32 v15, v8;
	[tilespmem:s24+$0x13270] =	vst v6;
	v6 =	vld [tilespmem:s24+$0xCEA0]  }
0xdf: {  	v9 =	vadd.f32 v16, v9;
	[tilespmem:s24+$0x16440] =	vst v7;
	v7 =	vld [tilespmem:s24+$0xCEB0]  }
0xe0: {  	v10 =	vadd.f32 v17, v10;
	[tilespmem:s24+$0x16450] =	vst v8;
	v8 =	vld [tilespmem:s24+$0x10080]  }
0xe1: {  	v11 =	vadd.f32 v18, v11;
	[tilespmem:s24+$0x16460] =	vst v9;
	v9 =	vld [tilespmem:s24+$0x10090]  }
0xe2: {  	v12 =	vadd.f32 v19, v12;
	[tilespmem:s24+$0x16470] =	vst v10;
	v10 =	vld [tilespmem:s24+$0x100A0]  }
0xe3: {  	[tilespmem:s24+$0xCE80] =	vst v11;
	v11 =	vld [tilespmem:s24+$0x100B0];
	v6 =	vadd.f32 v20, v6  }
0xe4: {  	[tilespmem:s24+$0xCE90] =	vst v12;
	v12 =	vld [tilespmem:s24+$0x13280];
	v7 =	vadd.f32 v21, v7  }
0xe5: {  	v13 =	vld [tilespmem:s24+$0x13290];
	[tilespmem:s24+$0xCEA0] =	vst v6;
	v6 =	vadd.f32 v22, v8  }
0xe6: {  	[tilespmem:s24+$0xCEB0] =	vst v7;
	v7 =	vld [tilespmem:s24+$0x132A0];
	v8 =	vadd.f32 v23, v9  }
0xe7: {  	v9 =	vadd.f32 v24, v10;
	[tilespmem:s24+$0x10080] =	vst v6;
	v6 =	vld [tilespmem:s24+$0x132B0]  }
0xe8: {  	v10 =	vadd.f32 v25, v11;
	[tilespmem:s24+$0x10090] =	vst v8;
	v8 =	vld [tilespmem:s24+$0x16480]  }
0xe9: {  	v12 =	vadd.f32 v26, v12;
	[tilespmem:s24+$0x100A0] =	vst v9;
	v9 =	vld [tilespmem:s24+$0x16490]  }
0xea: {  	s25 =	simm.s32 $0x200;
	v11 =	vadd.f32 v27, v13;
	[tilespmem:s24+$0x100B0] =	vst v10;
	v10 =	vld [tilespmem:s24+$0x164A0]  }
.LBB2_5:
0xeb: {  	s26 =	sshra.s32 s25, $0x2;
	p0 =	sne.s32 s25, $0xC600;
	[tilespmem:s24+$0x13280] =	vst v12;
	v5 =	vadd.f32 v5, v7;
	v7 =	vld [tilespmem:s24+$0x164B0]  }
0xec: {  	v12 =	vld [tilespmem:s26+$0x19640];
	[tilespmem:s24+$0x13290] =	vst v11;
	v4 =	vadd.f32 v4, v6  }
0xed: {  	v6 =	vld [tilespmem:s26+$0x19650];
	[tilespmem:s24+$0x132A0] =	vst v5;
	v3 =	vadd.f32 v3, v8  }
0xee: {  	v8 =	vld [tilespmem:s26+$0x19660];
	[tilespmem:s24+$0x132B0] =	vst v4;
	v2 =	vadd.f32 v2, v9  }
0xef: {  	v9 =	vld [tilespmem:s26+$0x19670];
	[tilespmem:s24+$0x16480] =	vst v3;
	v1 =	vadd.f32 v1, v10  }
0xf0: {  	v10 =	vld [tilespmem:s26+$0x19640];
	[tilespmem:s24+$0x16490] =	vst v2;
	v0 =	vadd.f32 v0, v7  }
0xf1: {  	v7 =	vld [tilespmem:s26+$0x19650];
	[tilespmem:s24+$0x164A0] =	vst v1  }
0xf2: {  	v11 =	vld [tilespmem:s26+$0x19660];
	[tilespmem:s24+$0x164B0] =	vst v0;
	s24 =	smov.u32 s26  }
0xf3: {  	v13 =	vld [tilespmem:s24+$0x19670]  }
0xf4: {  	v14 =	vld [tilespmem:s24+$0x19640]  }
0xf5: {  	v15 =	vld [tilespmem:s24+$0x19650]  }
0xf6: {  	v16 =	vld [tilespmem:s24+$0x19660]  }
0xf7: {  	v17 =	vld [tilespmem:s24+$0x19670]  }
0xf8: {  	v18 =	vld [tilespmem:s24+$0x19680]  }
0xf9: {  	v19 =	vld [tilespmem:s24+$0x19690]  }
0xfa: {  	v20 =	vld [tilespmem:s24+$0x196A0]  }
0xfb: {  	v21 =	vld [tilespmem:s24+$0x196B0]  }
0xfc: {  	v22 =	vld [tilespmem:s24+$0x19680]  }
0xfd: {  	v23 =	vld [tilespmem:s24+$0x19690]  }
0xfe: {  	v24 =	vld [tilespmem:s24+$0x196A0]  }
0xff: {  	v25 =	vld [tilespmem:s24+$0x196B0]  }
0x100: {  	v26 =	vld [tilespmem:s24+$0x19680]  }
0x101: {  	v27 =	vld [tilespmem:s24+$0x19690]  }
0x102: {  	v5 =	vld [tilespmem:s24+$0x196A0]  }
0x103: {  	v4 =	vld [tilespmem:s24+$0x196B0]  }
0x104: {  	v3 =	vld [tilespmem:s24+$0x19680]  }
0x105: {  	v2 =	vld [tilespmem:s24+$0x19690]  }
0x106: {  	v1 =	vld [tilespmem:s24+$0x196A0]  }
0x107: {  	v0 =	vld [tilespmem:s24+$0x196B0]  }
0x108: {  	v28 =	vld [tilespmem:s24+$0xCE40]  }
0x109: {  	v29 =	vld [tilespmem:s24+$0xCE50]  }
0x10a: {  	v30 =	vld [tilespmem:s24+$0xCE60]  }
0x10b: {  	v31 =	vld [tilespmem:s24+$0xCE70]  }
0x10c: {  	v32 =	vld [tilespmem:s24+$0x10040]  }
0x10d: {  	v28 =	vadd.f32 v12, v28;
	v33 =	vld [tilespmem:s24+$0x10050]  }
0x10e: {  	v29 =	vadd.f32 v6, v29;
	v34 =	vld [tilespmem:s24+$0x10060]  }
0x10f: {  	[tilespmem:s24+$0xCE40] =	vst v28;
	v28 =	vadd.f32 v8, v30;
	v30 =	vld [tilespmem:s24+$0x10070]  }
0x110: {  	[tilespmem:s24+$0xCE50] =	vst v29;
	v29 =	vadd.f32 v9, v31;
	v31 =	vld [tilespmem:s24+$0x13240]  }
0x111: {  	[tilespmem:s24+$0xCE60] =	vst v28;
	v12 =	vadd.f32 v12, v32;
	v28 =	vld [tilespmem:s24+$0x13250]  }
0x112: {  	[tilespmem:s24+$0xCE70] =	vst v29;
	v6 =	vadd.f32 v6, v33;
	v29 =	vld [tilespmem:s24+$0x13260]  }
0x113: {  	[tilespmem:s24+$0x10040] =	vst v12;
	v8 =	vadd.f32 v8, v34;
	v12 =	vld [tilespmem:s24+$0x13270]  }
0x114: {  	[tilespmem:s24+$0x10050] =	vst v6;
	v6 =	vadd.f32 v9, v30;
	v9 =	vld [tilespmem:s24+$0x16440]  }
0x115: {  	[tilespmem:s24+$0x10060] =	vst v8;
	v8 =	vadd.f32 v10, v31;
	v10 =	vld [tilespmem:s24+$0x16450]  }
0x116: {  	[tilespmem:s24+$0x10070] =	vst v6;
	v6 =	vadd.f32 v7, v28;
	v7 =	vld [tilespmem:s24+$0x16460]  }
0x117: {  	[tilespmem:s24+$0x13240] =	vst v8;
	v8 =	vadd.f32 v11, v29;
	v11 =	vld [tilespmem:s24+$0x16470]  }
0x118: {  	[tilespmem:s24+$0x13250] =	vst v6;
	v6 =	vadd.f32 v13, v12;
	v12 =	vld [tilespmem:s24+$0xCE80]  }
0x119: {  	[tilespmem:s24+$0x13260] =	vst v8;
	v8 =	vadd.f32 v14, v9;
	v9 =	vld [tilespmem:s24+$0xCE90]  }
0x11a: {  	[tilespmem:s24+$0x13270] =	vst v6;
	v6 =	vadd.f32 v15, v10;
	v10 =	vld [tilespmem:s24+$0xCEA0]  }
0x11b: {  	[tilespmem:s24+$0x16440] =	vst v8;
	v7 =	vadd.f32 v16, v7;
	v8 =	vld [tilespmem:s24+$0xCEB0]  }
0x11c: {  	[tilespmem:s24+$0x16450] =	vst v6;
	v6 =	vadd.f32 v17, v11;
	v11 =	vld [tilespmem:s24+$0x10080]  }
0x11d: {  	[tilespmem:s24+$0x16460] =	vst v7;
	v7 =	vadd.f32 v18, v12;
	v12 =	vld [tilespmem:s24+$0x10090]  }
0x11e: {  	[tilespmem:s24+$0x16470] =	vst v6;
	v6 =	vadd.f32 v19, v9;
	v9 =	vld [tilespmem:s24+$0x100A0]  }
0x11f: {  	[tilespmem:s24+$0xCE80] =	vst v7;
	v7 =	vadd.f32 v20, v10;
	v10 =	vld [tilespmem:s24+$0x100B0]  }
0x120: {  	[tilespmem:s24+$0xCE90] =	vst v6;
	v6 =	vadd.f32 v21, v8;
	v13 =	vld [tilespmem:s24+$0x13280]  }
0x121: {  	[tilespmem:s24+$0xCEA0] =	vst v7;
	v8 =	vadd.f32 v22, v11;
	v11 =	vld [tilespmem:s24+$0x13290]  }
.Ltmp1:
0x122: {  	[tilespmem:s24+$0xCEB0] =	vst v6;
	v12 =	vadd.f32 v23, v12;
	v7 =	vld [tilespmem:s24+$0x132A0];
	(pc) =	sbr.rel @p0 .LBB2_5-.Ltmp1, $4  }
0x123: {  	[tilespmem:s24+$0x10080] =	vst v8;
	v9 =	vadd.f32 v24, v9;
	v6 =	vld [tilespmem:s24+$0x132B0]  }
0x124: {  	[tilespmem:s24+$0x10090] =	vst v12;
	v10 =	vadd.f32 v25, v10;
	v8 =	vld [tilespmem:s24+$0x16480]  }
0x125: {  	[tilespmem:s24+$0x100A0] =	vst v9;
	v12 =	vadd.f32 v26, v13;
	v9 =	vld [tilespmem:s24+$0x16490]  }
0x126: {  	s25 =	sadd.s32 $0x200, s25;
	[tilespmem:s24+$0x100B0] =	vst v10;
	v11 =	vadd.f32 v27, v11;
	v10 =	vld [tilespmem:s24+$0x164A0]  }
0x127: {  	[tilespmem:s24+$0x13280] =	vst v12;
	v5 =	vadd.f32 v5, v7;
	v63 =	vld [tilespmem:s24+$0x164B0]  }
0x128: {  	[tilespmem:s24+$0x13290] =	vst v11;
	v4 =	vadd.f32 v4, v6  }
0x129: {  	s22 =	sadd.s32 $0x1, s22;
	[tilespmem:s24+$0x132A0] =	vst v5;
	v3 =	vadd.f32 v3, v8  }
0x12a: {  	p0 =	sne.s32 s22, $0x10;
	[tilespmem:s24+$0x132B0] =	vst v4;
	v2 =	vadd.f32 v2, v9  }
.Ltmp2:
0x12b: {  	[tilespmem:s24+$0x16480] =	vst v3;
	v1 =	vadd.f32 v1, v10;
	(pc) =	sbr.rel @p0 .LBB2_2-.Ltmp2, $4  }
0x12c: {  	s23 =	sshll.u32 s23, $0x3;
	[tilespmem:s24+$0x16490] =	vst v2;
	v0 =	vadd.f32 v0, v63  }
0x12d: {  	s23 =	sand.u32 $0x1FFFFF00, s23;
	[tilespmem:s24+$0x164A0] =	vst v1  }
0x12e: {  	s23 =	sadd.s32 s2, s23;
	[tilespmem:s24+$0x164B0] =	vst v0  }
0x12f: {  	[hbm4b:s23+s3] =	stream.linear.scatter [tilespmem:s16], [sflag:$0x4], $0xC800, $0x38;
	[tilespmem:$0x1C840] =	vst v63  }
0x130: {  	s21 =	sadd.s32 $0x1, s21  }
0x131: {  	_ =	swait.ge [sflag:s19], $0xC800;
	p0 =	sne.s32 s21, s11  }
.Ltmp3:
0x132: {  	[sflag:s19] =	ssyncset.done $0x0;
	(pc) =	sbr.rel @p0 .LBB2_1-.Ltmp3, $4  }
0x133: {  	[sflag:s19] =	ssyncadd.s32 $0xFFFF3800  }
0x134: {  	_ =	swait.ge [sflag:s20], $0xC800  }
0x135: {  	[sflag:s20] =	ssyncset.done $0x0  }
0x136: {  	[sflag:s20] =	ssyncadd.s32 $0xFFFF3800  }
0x137: {  	_ =	sfence.sel $0x180000  }
0x138: {  	[bflag:$0x0] =	sbarrier.arrive $0xFFFF  }
0x139: {  	p0 =	sne.s32 s1, $0x0;
	_ =	strace $0x90000047  }
0x13a: {  	s0 =	sadd.s32 @!p0 $0x100000, s0;
	[bflag:$0x2] =	sbarrier.arrive $0xFFFF  }
0x13b: {  	[sflag:s0] =	ssyncadd.tile.s32 @!p0 $0x1;
	_ =	shalt  }
.Lfunc_end2:
_tile_overlayer_lowered:
.L_overlay_start_2:
0x13c: {  	(tag) =	ssettag $0x2  }
0x13d: {  	s0 =	rddreg [dreg:$0x0];
	s2 =	stileid.u32  }
0x13e: {  	s1 =	rddreg [dreg:$0x1];
	p0 =	sne.s32 s2, $0x0  }
0x13f: {  	s3 =	rddreg [dreg:$0x2];
	[bflag:$0x3] =	sbarrier.arrive $0xFFFF;
	s2 =	simm.s32 @!p0 $0x1C05  }
0x140: {  	[timem:s3], [sflag:s2] =	dma.local @!p0 [hbm:s0], s1  }
0x141: {  	s0 =	simm.s32 @!p0 $0x5  }
0x142: {  	_ =	swait.ge @!p0 [sflag:s0], s1  }
0x143: {  	s1 =	ssub.s32 @!p0 $0x0, s1;
	[sflag:s0] =	ssyncset.done @!p0 $0x0  }
0x144: {  	[sflag:s0] =	ssyncadd.s32 @!p0 s1  }
0x145: {  	[bflag:$0x3] =	sbarrier.arrive $0xFFFF  }
0x146: {  	_ =	shalt  }

// kernel: sparse-core-data-format-call.cloned.1.call-start
scs
called_computation_lowered:
.L_overlay_start_0:
0x0: {  	s2 =	sld [smem:$0x3FD9]  }
0x1: {  	s3 =	sld [smem:$0x3FFE];
	_ =	sdelay $0x1  }
0x2: {  	s1 =	srdreg.scid  }
0x3: {  	s0 =	sand.u32 $0x1, s1  }
0x4: {  	s18 =	sshll.u32 s0, $0xA;
	s2 =	sadd.s32 s3, s2  }
0x5: {  	s2 =	sadd.s32 s2, s18  }
0x6: {  	[smem:$0x3FC5] =	sst s2  }
0x7: {  	_ = 	snop  }
0x8: {  	s2 =	sld [smem:$0x3FD0];
	(tm) =	ssettm $0x1  }
0x9: {  	s19 =	sld [smem:$0x3FFB];
	_ =	sdelay $0x3  }
0xa: {  	_ =	strace s19  }
0xb: {  	s3 =	sld [smem:$0x3FFC];
	_ =	sdelay $0x3  }
0xc: {  	_ =	strace s3  }
0xd: {  	s3 =	sld [smem:$0x3FFD];
	_ =	sdelay $0x3  }
0xe: {  	_ =	strace s3  }
0xf: {  	_ =	strace $0x8FFFFFFF  }
0x10: {  	s20 =	sld [smem:$0x3FDB];
	_ =	sdelay $0x1  }
0x11: {  	s4 =	simm.s32 $_scs_section_size  }
0x12: {  	s5 =	simm.s32 $_size__tile_overlayer_lowered;
	s6 =	simm.s32 $_tile_overlayer_lowered  }
0x13: {  	s23 =	simm.s32 $0x1BFF;
	s22 =	sshll.u32 s6, $0x1;
	s3 =	sadd.s32 s4, s20  }
0x14: {  	s7 =	simm.s32 $0x0;
	s21 =	sshll.u32 s5, $0x1;
	s5 =	sadd.s32 s22, s3  }
0x15: {  	[timem:s7], [sflag:s23] =	dma.local [hbm:s5], s21  }
0x16: {  	_ =	swait.ge [sflag:s23], s21  }
0x17: {  	s4 =	ssub.s32 $0x0, s21;
	[sflag:s23] =	ssyncset.done $0x0  }
0x18: {  	[sflag:s23] =	ssyncadd.s32 s4;
	_ =	sdelay $0x1  }
0x19: {  	s24 =	simm.s32 $0x1B8B  }
0x1a: {  	_ =	swait.ge [sflag:s24], $0x1  }
0x1b: {  	[sflag:s24] =	ssyncset.done $0x0  }
0x1c: {  	s26 =	simm.s32 $0x1B8E;
	s25 =	sld [smem:$0x3FFE];
	[sflag:s24] =	ssyncadd.s32 $0xFFFFFFFF  }
0x1d: {  	s27 =	simm.s32 $execute0_lowered;
	[smem:$0x3FD2] =	sst s26  }
0x1e: {  	s5 =	sshll.u32 s27, $0x1;
	_ =	strace $0x80000049;
	[dreg:$0x1] =	wrdreg $0xFFFFFFFF  }
0x1f: {  	s28 =	simm.s32 $_size_execute0_lowered;
	s3 =	sadd.s32 s3, s5;
	[dreg:$0x0] =	wrdreg $0x0  }
0x20: {  	s5 =	sshll.u32 s28, $0x1;
	[dreg:$0x2] =	wrdreg s3  }
0x21: {  	[dreg:$0x3] =	wrdreg s5  }
0x22: {  	[dreg:$0x4] =	wrdreg $0xC0  }
0x23: {  	_ =	task [dreg:s7], $0x5FFFF  }
0x24: {  	[dreg:$0x1] =	wrdreg $0xFFFFFFFF  }
0x25: {  	[dreg:$0x0] =	wrdreg $0x60  }
0x26: {  	[dreg:$0x2] =	wrdreg s25  }
0x27: {  	[dreg:$0x3] =	wrdreg s2  }
0x28: {  	[dreg:$0x4] =	wrdreg $0x9  }
0x29: {  	_ =	task.clear_ibuf [dreg:s7], $0x5FFFF;
	_ =	strace $0x90000049  }
0x2a: {  	s29 =	simm.s32 $0x9;
	_ =	strace $0x8000004B  }
0x2b: {  	_ =	swait.ge [sflag:s29], $0x1  }
0x2c: {  	[sflag:s29] =	ssyncadd.s32 $0xFFFFFFFF  }
0x2d: {  	_ =	strace $0x9000004B  }
0x2e: {  	_ =	sfence  }
0x2f: {  	s30 =	sld [smem:$0x0];
	_ =	sdelay $0x2  }
0x30: {  	s31 =	sshll.u32 s1, $0xD;
	s1 =	sshrl.u32 s1, $0x2  }
0x31: {  	s3 =	sand.u32 $0x4000, s31;
	s1 =	sadd.s32 s1, s30  }
0x32: {  	s0 =	sor.u32 s3, s0;
	s1 =	sshll.u32 s1, $0x11  }
0x33: {  	s0 =	sor.u32 s1, s0  }
0x34: {  	s0 =	sadd.s32 $0x8F2B, s0  }
0x35: {  	[sflag:s0] =	ssyncadd.remote.s32 $0x1  }
0x36: {  	_ =	sfence.sel $0xFFFF  }
0x37: {  	[dreg:$0x0] =	wrdreg $0xFFFFFFFF;
	(pc) =	sbr.abs _section_cstart, $3  }
0x38: {  	[dreg:$0x1] =	wrdreg $0xFFFFFFFF  }
0x39: {  	_ =	task.clear_ibuf [dreg:s7], $0x2FFFF;
	_ =	strace $0x9FFFFFFF  }
0x3a: {  	(tm) =	ssettm $0x7FFFFFFF  }
0x3b: {  	_ =	shalt  }
tec
execute0_lowered:
.L_overlay_start_1:
0x0: {  	(tag) =	ssettag $0x1  }
0x1: {  	s0 =	srdreg.scid  }
0x2: {  	s1 =	sshll.u32 s0, $0x4  }
0x3: {  	s0 =	stileid.u32;
	s1 =	sand.u32 $0x10, s1  }
0x4: {  	s1 =	sor.u32 s0, s1  }
0x5: {  	s6 =	rddreg [dreg:$0x0];
	s4 =	simm.s32 $0x1;
	s2 =	sshll.u32 s1, $0x7  }
0x6: {  	s7 =	simm.s32 $0x2;
	s12 =	simm.s32 $0x0;
	s1 =	ssub.s32 $0x1000, s2  }
0x7: {  	s8 =	simm.s32 $0x8000;
	s13 =	simm.s32 $0x0;
	s3 =	sand.u32 $0xF80, s1  }
0x8: {  	s9 =	simm.s32 $0x0;
	s5 =	sshrl.u32 s1, $0xC;
	p0 =	sne.s32 s3, $0x0  }
.Ltmp0:
0x9: {  	s1 =	rddreg [dreg:$0x2];
	s4 =	simm.s32 @!p0 $0x0;
	(pc) =	sbr.rel .LBB1_1-.Ltmp0, $4  }
0xa: {  	s11 =	simm.s32 $0x0;
	s3 =	rddreg [dreg:$0x1];
	s5 =	sadd.s32 s4, s5  }
0xb: {  	_ =	strace $0x8000004A;
	s4 =	simm.s32 $0x1;
	s5 =	smul.u32 $0xC8, s5  }
0xc: {  	s6 =	sadd.s32 $0x800, s6;
	s10 =	smov.u32 s2;
	[sflag:s4] =	ssyncpa.u1 $0x0  }
0xd: {  	p0 =	por $0x0, $0x0;
	[sflag:s7] =	ssyncpa.u1 $0x0;
	s7 =	sor.u32 $0x1, s5  }
.LBB1_4:
0xe: {  	s16 =	sshll.u32 s13, $0x3;
	s17 =	sand.u32 $0x78, s13  }
0xf: {  	s30 =	sand.u32 $0x7E00, s13;
	s12 =	sshll.u32 s12, $0xF;
	s16 =	sand.u32 $0xC00, s16  }
0x10: {  	[tilespmem:s15+$0x810 ss:$0x81] =	vst.msk $0xffff, v2;
	s31 =	sand.u32 $0x7, s13;
	s16 =	sor.u32 s17, s16;
	s17 =	sadd.s32 s3, s30  }
0x11: {  	[tilespmem:s15+$0x1020 ss:$0x81] =	vst.msk $0xffff, v0;
	s13 =	sshll.u32 s31, $0x12;
	s12 =	sadd.s32 s12, s17;
	s16 =	sshrl.u32 s16, $0x3  }
0x12: {  	[tilespmem:s15+$0x0 ss:$0x81] =	vst.msk $0xffff, v1;
	s13 =	sor.u32 $0x400, s13;
	s12 =	sadd.s32 s16, s12  }
0x13: {  	[hbm4b:s12+s13] =	stream.strided.scatter [tilespmem:s14], [sflag:$0x2], $0x2000, s8, s13, $0x20;
	[tilespmem:$0x8080] =	vst v63  }
.LBB1_5:
0x14: {  	s14 =	sadd.s32 $0x1, s9  }
0x15: {  	s12 =	sadd.s32 $0x1000, s10;
	s16 =	smov.u32 s10;
	p2 =	sgt.s32 s14, $0xC7  }
0x16: {  	s16 =	smov.u32 @p2 s12  }
0x17: {  	s14 =	simm.s32 @p2 $0x0;
	p2 =	sgt.s32 s16, $0xFFF  }
0x18: {  	s16 =	smov.u32 @p2 s2;
	p2 =	sne.s32 s11, s7  }
.Ltmp1:
0x19: {  	p1 =	slt.u32 s11, $0x2;
	(pc) =	sbr.rel @!p2 .LBB1_6-.Ltmp1, $4  }
0x1a: {  	s15 =	simm.s32 @!p1 $0x2  }
0x1b: {  	s13 =	smov.u32 s10;
	p0 =	por !p0, !p0;
	_ =	swait.ge @!p1 [sflag:s15], $0x2000  }
0x1c: {  	s12 =	smov.u32 s9;
	[sflag:s15] =	ssyncset.done @!p1 $0x0;
	s9 =	smov.u32 s14  }
0x1d: {  	s11 =	sadd.s32 $0x1, s11;
	[sflag:s15] =	ssyncadd.s32 @!p1 $0xFFFFE000;
	s10 =	smov.u32 s16  }
.LBB1_1:
0x1e: {  	p1 =	sge.u32 s11, s5  }
0x1f: {  	s14 =	sand.u32 @!p1 $0x1FFFFFF, s9  }
0x20: {  	s15 =	smulhi.u32 @!p1 $0x147AE15, s14;
	_ =	sdelay $0x1  }
0x21: {  	s15 =	smul.u32 @!p1 $0xC8, s15  }
0x22: {  	s16 =	sxor.u32 @!p1 $0xFFFFFFFF, s11;
	s17 =	smul.u32 @!p1 $0xC80, s10  }
0x23: {  	s31 =	sadd.s32 $0xFFFFFFFF, s11;
	s16 =	sshll.u32 @!p1 s16, $0xD;
	s14 =	ssub.s32 @!p1 s14, s15  }
0x24: {  	s15 =	sand.u32 @!p1 $0x2000, s16;
	s16 =	sadd.s32 @!p1 s6, s17;
	s14 =	sshll.u32 @!p1 s14, $0x4  }
0x25: {  	s17 =	simm.s32 @!p1 $0x6400;
	s14 =	sadd.s32 @!p1 s14, s16;
	s16 =	simm.s32 @!p1 $0x40  }
0x26: {  	[tilespmem:s15], [sflag:$0x1] =	stream.strided.gather @!p1 [hbm4b:s14+s16], $0x2000, s17, s16, $0x38;
	[tilespmem:$0x8080] =	vst v63  }
0x27: {  	p1 =	sge.u32 s31, s5  }
.Ltmp2:
0x28: {  	_ = 	snop;
	(pc) =	sbr.rel @p1 .LBB1_5-.Ltmp2, $1  }
0x29: {  	_ =	sdelay $0x3  }
0x2a: {  	s14 =	simm.s32 $0x1  }
0x2b: {  	_ =	swait.ge [sflag:s4], $0x2000;
	s14 =	simm.s32 @!p0 $0x0  }
0x2c: {  	[sflag:s4] =	ssyncset.done $0x0;
	s15 =	sshll.u32 s14, $0xD  }
0x2d: {  	[sflag:s4] =	ssyncadd.s32 $0xFFFFE000;
	s18 =	sor.u32 $0x20, s15  }
0x2e: {  	s14 =	smul.u32 $0x8100, s14;
	v3 =	vld [tilespmem:s18+$0x10]  }
0x2f: {  	s30 =	sand.u32 $0x1, s11;
	v2 =	vld [tilespmem:s18+$0xFFFFFFF0]  }
0x30: {  	s15 =	smul.u32 $0x8100, s30;
	s14 =	sshrl.u32 s14, $0x2;
	v0 =	vld [tilespmem:s18+$0x0]  }
0x31: {  	v1 =	vld [tilespmem:s18+$0xFFFFFFE0];
	s16 =	sor.u32 $0x4000, s14  }
0x32: {  	s31 =	sshrl.u32 s15, $0x2;
	s15 =	sadd.s32 $0x0, s16  }
0x33: {  	s17 =	simm.s32 $0x4;
	s18 =	sadd.s32 $0x40, s18;
	s14 =	sor.u32 $0x4000, s31;
	[tilespmem:s15+$0x1830 ss:$0x81] =	vst.msk $0xffff, v3  }
.LBB1_3:
0x34: {  	v3 =	vld [tilespmem:s18+$0x10];
	p1 =	sne.s32 s17, $0x1FC;
	[tilespmem:s15+$0x810 ss:$0x81] =	vst.msk $0xffff, v2;
	s19 =	smov.u32 s17;
	s17 =	sadd.s32 $0x4, s17  }
.Ltmp3:
0x35: {  	v2 =	vld [tilespmem:s18+$0xFFFFFFF0];
	[tilespmem:s15+$0x1020 ss:$0x81] =	vst.msk $0xffff, v0;
	(pc) =	sbr.rel @p1 .LBB1_3-.Ltmp3, $4  }
0x36: {  	v0 =	vld [tilespmem:s18+$0x0];
	[tilespmem:s15+$0x0 ss:$0x81] =	vst.msk $0xffff, v1  }
0x37: {  	s15 =	sshra.s32 s19, $0x2;
	v1 =	vld [tilespmem:s18+$0xFFFFFFE0]  }
0x38: {  	s15 =	sadd.s32 s15, s16  }
0x39: {  	s18 =	sadd.s32 $0x40, s18;
	[tilespmem:s15+$0x1830 ss:$0x81] =	vst.msk $0xffff, v3  }
.Ltmp4:
0x3a: {  	_ = 	snop;
	(pc) =	sbr.rel .LBB1_4-.Ltmp4, $1  }
0x3b: {  	_ =	sdelay $0x3  }
.LBB1_6:
0x3c: {  	_ =	sfence.sel $0x180000  }
0x3d: {  	s2 =	simm.s32 $0x1;
	[bflag:$0x0] =	sbarrier.arrive $0xFFFF  }
0x3e: {  	s31 =	simm.s32 $0x2;
	[sflag:s2] =	ssyncpa.u1 $0x1  }
0x3f: {  	[sflag:s31] =	ssyncpa.u1 $0x1  }
0x40: {  	p0 =	sne.s32 s0, $0x0;
	_ =	strace $0x9000004A  }
0x41: {  	s0 =	sadd.s32 @!p0 $0x100000, s1;
	[bflag:$0x2] =	sbarrier.arrive $0xFFFF  }
0x42: {  	[sflag:s0] =	ssyncadd.tile.s32 @!p0 $0x1;
	_ =	shalt  }
.Lfunc_end1:
_tile_overlayer_lowered:
.L_overlay_start_2:
0x43: {  	(tag) =	ssettag $0x2  }
0x44: {  	s0 =	rddreg [dreg:$0x0];
	s2 =	stileid.u32  }
0x45: {  	s1 =	rddreg [dreg:$0x1];
	p0 =	sne.s32 s2, $0x0  }
0x46: {  	s3 =	rddreg [dreg:$0x2];
	[bflag:$0x3] =	sbarrier.arrive $0xFFFF;
	s2 =	simm.s32 @!p0 $0x1C01  }
0x47: {  	[timem:s3], [sflag:s2] =	dma.local @!p0 [hbm:s0], s1  }
0x48: {  	s0 =	simm.s32 @!p0 $0x1  }
0x49: {  	_ =	swait.ge @!p0 [sflag:s0], s1  }
0x4a: {  	s1 =	ssub.s32 @!p0 $0x0, s1;
	[sflag:s0] =	ssyncset.done @!p0 $0x0  }
0x4b: {  	[sflag:s0] =	ssyncadd.s32 @!p0 s1  }
0x4c: {  	[bflag:$0x3] =	sbarrier.arrive $0xFFFF  }
0x4d: {  	_ =	shalt  }

</sc_bundles>
